<compile_context>
chip_gen: v7x
topology: tpu7x:2x2x1
jax: 0.10.2.dev20260603
libtpu: 0.0.44.dev20260713+nightly
codegen_flags: <defaults>
</compile_context>

<pallas_src>
import jax
import jax.numpy as jnp
from jax import lax
from jax.experimental import pallas as pl
from jax.experimental.pallas import tpu as pltpu
from jax.experimental.pallas import tpu_sc as plsc

B = 4096
S = 200
D = 64
DP = 2 * D
HIDDEN = 300
VOCAB_ROWS = 1000000

NC = 2
NS = 16
NW = NC * NS
SAMP_PER_W = B // NW
CHUNK = S // 2
CHUNKS_PER_W = SAMP_PER_W * 2
NBUF = 4

_sc_mesh = plsc.VectorSubcoreMesh(
    core_axis_name="c", subcore_axis_name="s", num_cores=NC, num_subcores=NS
)


_CBLK = 4000


def _padk_body(a_ref, o_ref):
    o_ref[:, 0:D] = a_ref[...]
    o_ref[:, D:DP] = jnp.zeros((_CBLK, D), jnp.float32)


def _padk(table):
    return pl.pallas_call(
        _padk_body,
        grid=(VOCAB_ROWS // _CBLK,),
        in_specs=[pl.BlockSpec((_CBLK, D), lambda i: (i, 0))],
        out_specs=pl.BlockSpec((_CBLK, DP), lambda i: (i, 0)),
        out_shape=jax.ShapeDtypeStruct((VOCAB_ROWS, DP), jnp.float32),
    )(table)


def _pool_body(x_hbm, table_hbm, out_hbm, idx_v, rows_v, out_v, *sems):
    w = lax.axis_index("s") * NC + lax.axis_index("c")

    pltpu.sync_copy(x_hbm.at[w], idx_v)

    def gather(g, b):
        pltpu.async_copy(
            table_hbm.at[idx_v.at[g, pl.ds(0, CHUNK)]], rows_v.at[b], sems[b]
        )

    for b in range(NBUF):
        gather(b, b)

    def outer(it, carry):
        for half in range(NBUF // 2):
            smp = it * (NBUF // 2) + half
            accs = tuple(jnp.zeros((16,), jnp.float32) for _ in range(4))
            for p in range(2):
                b = half * 2 + p
                pltpu.make_async_copy(
                    table_hbm.at[idx_v.at[0, pl.ds(0, CHUNK)]],
                    rows_v.at[b],
                    sems[b],
                ).wait()

                def row_body(r, a, b=b):
                    return tuple(
                        a[k] + rows_v[b, r, pl.ds(16 * k, 16)] for k in range(4)
                    )

                accs = lax.fori_loop(0, CHUNK, row_body, accs, unroll=4)

                g_next = (it + 1) * NBUF + b

                @pl.when(g_next < CHUNKS_PER_W)
                def _(b=b, g_next=g_next):
                    gather(g_next, b)

            inv = jnp.float32(1.0 / S)
            for k in range(4):
                out_v[smp, pl.ds(16 * k, 16)] = accs[k] * inv
        return carry

    lax.fori_loop(0, CHUNKS_PER_W // NBUF, outer, 0)

    pltpu.sync_copy(out_v, out_hbm.at[pl.ds(w * SAMP_PER_W, SAMP_PER_W)])


_sc_pool = pl.kernel(
    _pool_body,
    out_type=jax.ShapeDtypeStruct((B, D), jnp.float32),
    mesh=_sc_mesh,
    scratch_types=[
        pltpu.VMEM((CHUNKS_PER_W, DP), jnp.int32),
        pltpu.VMEM((NBUF, CHUNK, DP), jnp.float32),
        pltpu.VMEM((SAMP_PER_W, D), jnp.float32),
    ]
    + [pltpu.SemaphoreType.DMA] * NBUF,
)


def _mlp_body(x_ref, w1_ref, b1_ref, w2_ref, b2_ref, w3_ref, b3_ref, o_ref):
    x = x_ref[...]
    h = jnp.maximum(
        lax.dot_general(
            x, w1_ref[...], (((1,), (0,)), ((), ())),
            preferred_element_type=jnp.float32,
        )
        + b1_ref[...],
        0.0,
    )
    h = jnp.maximum(
        lax.dot_general(
            h, w2_ref[...], (((1,), (0,)), ((), ())),
            preferred_element_type=jnp.float32,
        )
        + b2_ref[...],
        0.0,
    )
    logits = (
        lax.dot_general(
            h, w3_ref[...], (((1,), (0,)), ((), ())),
            preferred_element_type=jnp.float32,
        )
        + b3_ref[...]
    )
    m = jnp.max(logits, axis=1, keepdims=True)
    lse = m + jnp.log(jnp.sum(jnp.exp(logits - m), axis=1, keepdims=True))
    o_ref[...] = logits - lse


_MLP_BB = 512


def _mlp(pooled, W1, b1, W2, b2, W3, b3):
    grid = (B // _MLP_BB,)
    return pl.pallas_call(
        _mlp_body,
        grid=grid,
        in_specs=[
            pl.BlockSpec((_MLP_BB, D), lambda i: (i, 0)),
            pl.BlockSpec((D, HIDDEN), lambda i: (0, 0)),
            pl.BlockSpec((1, HIDDEN), lambda i: (0, 0)),
            pl.BlockSpec((HIDDEN, HIDDEN), lambda i: (0, 0)),
            pl.BlockSpec((1, HIDDEN), lambda i: (0, 0)),
            pl.BlockSpec((HIDDEN, 2), lambda i: (0, 0)),
            pl.BlockSpec((1, 2), lambda i: (0, 0)),
        ],
        out_specs=pl.BlockSpec((_MLP_BB, 2), lambda i: (i, 0)),
        out_shape=jax.ShapeDtypeStruct((B, 2), jnp.float32),
    )(pooled, W1, b1, W2, b2, W3, b3)


def kernel(x, table, W1, b1, W2, b2, W3, b3):
    table_p = jnp.concatenate((table, table), axis=1)
    xr = jnp.pad(
        x.reshape(NW, CHUNKS_PER_W, CHUNK), ((0, 0), (0, 0), (0, DP - CHUNK))
    )
    pooled = _sc_pool(xr, table_p)
    return _mlp(
        pooled, W1, b1.reshape(1, HIDDEN), W2, b2.reshape(1, HIDDEN),
        W3, b3.reshape(1, 2),
    )

# --- scband reference (transcript-rebuilt; emitter-appended) ---
"""Pipeline reference for scband-dan-72189810311381 (READ-ONLY COPY).

The authoritative reference and input builder live on the scoring server;
editing this copy changes nothing except your own understanding.
"""

import jax, jax.numpy as jnp
import numpy as np

VOCAB = 1000000
EMBED_DIM = 64
BATCH = 4096
SEQ = 200
HIDDEN = 300

def setup_inputs(seed: int = 0) -> dict:
    key = jax.random.key(seed)
    ks = jax.random.split(key, 9)
    x = jax.random.randint(ks[0], (BATCH, SEQ), 0, VOCAB, dtype=jnp.int32)
    table = jax.random.normal(ks[1], (VOCAB, EMBED_DIM), dtype=jnp.float32) * 0.02
    # Linear layers: W stored as (in, out) for x @ W + b
    W1 = jax.random.normal(ks[2], (EMBED_DIM, HIDDEN), dtype=jnp.float32) * (1.0 / np.sqrt(EMBED_DIM))
    b1 = jnp.zeros((HIDDEN,), dtype=jnp.float32)
    W2 = jax.random.normal(ks[3], (HIDDEN, HIDDEN), dtype=jnp.float32) * (1.0 / np.sqrt(HIDDEN))
    b2 = jnp.zeros((HIDDEN,), dtype=jnp.float32)
    W3 = jax.random.normal(ks[4], (HIDDEN, 2), dtype=jnp.float32) * (1.0 / np.sqrt(HIDDEN))
    b3 = jnp.zeros((2,), dtype=jnp.float32)
    return {"x": x, "table": table, "W1": W1, "b1": b1, "W2": W2, "b2": b2, "W3": W3, "b3": b3}

def reference(x, table, W1, b1, W2, b2, W3, b3):
    # embedding lookup (gather)
    embedded = jnp.take(table, x, axis=0)            # [B, S, D]
    sentence = jnp.mean(embedded, axis=1)            # [B, D]
    h = jnp.maximum(sentence @ W1 + b1, 0.0)         # Linear + ReLU (dropout = identity in eval)
    h = jnp.maximum(h @ W2 + b2, 0.0)
    logits = h @ W3 + b3                             # [B, 2]
    return jax.nn.log_softmax(logits, axis=1)

if __name__ == "__main__":
    import jax
    _d = setup_inputs()
    print(jax.jit(kernel)(*tuple(_d.values())))

</pallas_src>

<mosaic_0001>
#map = affine_map<(d0, d1) -> (0, 0, 0)>
#map1 = affine_map<(d0, d1) -> (0, 0)>
module attributes {stable_mosaic.version = 14 : i64} {
  func.func @_pool_body(%arg0: i32, %arg1: i32, %arg2: memref<32x256x128xi32, #tpu.memory_space<hbm>>, %arg3: memref<1000000x128xf32, #tpu.memory_space<hbm>>, %arg4: memref<4096x64xf32, #tpu.memory_space<hbm>>, %arg5: memref<256x128xi32, #tpu.memory_space<vmem>>, %arg6: memref<4x100x128xf32, #tpu.memory_space<vmem>>, %arg7: memref<128x64xf32, #tpu.memory_space<vmem>>, %arg8: memref<!tpu.dma_semaphore, #tpu.memory_space<semaphore_mem>>, %arg9: memref<!tpu.dma_semaphore, #tpu.memory_space<semaphore_mem>>, %arg10: memref<!tpu.dma_semaphore, #tpu.memory_space<semaphore_mem>>, %arg11: memref<!tpu.dma_semaphore, #tpu.memory_space<semaphore_mem>>) attributes {dimension_semantics = [#tpu.dimension_semantics<core_parallel>, #tpu.dimension_semantics<subcore_parallel>], iteration_bounds = array<i64: 2, 16>, scalar_prefetch = 0 : i64, scratch_operands = 7 : i64, tpu.core_type = #tpu.core_type<sc_vector_subcore>, window_params = [{transform_indices = #map}, {transform_indices = #map1}, {transform_indices = #map1}]} {
    %mul3A = arith.constant 2 : i32
    %mul3A_0 = arith.muli %arg1, %mul3A : i32
    %add3A = arith.addi %mul3A_0, %arg0 : i32
    "tpu.region"() ({
      %run_scoped3A = tpu.sem_alloc : memref<!tpu.dma_semaphore, #tpu.memory_space<semaphore_mem>>
      %dma_start3A_55 = arith.constant 0 : i32
      %dma_start3A_56 = arith.constant 0 : i32
      %dma_start3A_57 = tpu.memref_slice %arg2[%add3A, %dma_start3A_55, %dma_start3A_56] : memref<32x256x128xi32, #tpu.memory_space<hbm>> -> memref<1x256x128xi32, #tpu.memory_space<hbm>>
      %dma_start3A_58 = tpu.memref_squeeze %dma_start3A_57 : memref<1x256x128xi32, #tpu.memory_space<hbm>> -> memref<256x128xi32, #tpu.memory_space<hbm>>
      %dma_start3A_59 = arith.constant 0 : i32
      %dma_start3A_60 = arith.constant 0 : i32
      %dma_start3A_61 = tpu.memref_slice %arg2[%add3A, %dma_start3A_59, %dma_start3A_60] : memref<32x256x128xi32, #tpu.memory_space<hbm>> -> memref<1x256x128xi32, #tpu.memory_space<hbm>>
      %dma_start3A_62 = tpu.memref_squeeze %dma_start3A_61 : memref<1x256x128xi32, #tpu.memory_space<hbm>> -> memref<256x128xi32, #tpu.memory_space<hbm>>
      tpu.enqueue_dma source(%dma_start3A_62 : memref<256x128xi32, #tpu.memory_space<hbm>>) target(%arg5 : memref<256x128xi32, #tpu.memory_space<vmem>>) target_semaphore(%run_scoped3A : memref<!tpu.dma_semaphore, #tpu.memory_space<semaphore_mem>>)
      %dma_wait3A = arith.constant 0 : i32
      %dma_wait3A_63 = arith.constant 0 : i32
      %dma_wait3A_64 = tpu.memref_slice %arg2[%add3A, %dma_wait3A, %dma_wait3A_63] : memref<32x256x128xi32, #tpu.memory_space<hbm>> -> memref<1x256x128xi32, #tpu.memory_space<hbm>>
      %dma_wait3A_65 = tpu.memref_squeeze %dma_wait3A_64 : memref<1x256x128xi32, #tpu.memory_space<hbm>> -> memref<256x128xi32, #tpu.memory_space<hbm>>
      %dma_wait3A_66 = arith.constant 0 : i32
      %dma_wait3A_67 = arith.constant 0 : i32
      %dma_wait3A_68 = tpu.memref_slice %arg2[%add3A, %dma_wait3A_66, %dma_wait3A_67] : memref<32x256x128xi32, #tpu.memory_space<hbm>> -> memref<1x256x128xi32, #tpu.memory_space<hbm>>
      %dma_wait3A_69 = tpu.memref_squeeze %dma_wait3A_68 : memref<1x256x128xi32, #tpu.memory_space<hbm>> -> memref<256x128xi32, #tpu.memory_space<hbm>>
      tpu.wait_dma2 semaphore(%run_scoped3A : memref<!tpu.dma_semaphore, #tpu.memory_space<semaphore_mem>>) src(%dma_wait3A_69 : memref<256x128xi32, #tpu.memory_space<hbm>>) dst(%arg5 : memref<256x128xi32, #tpu.memory_space<vmem>>)
      tpu.yield
    }) : () -> ()
    %dma_start3A = arith.constant 0 : i32
    %dma_start3A_1 = arith.constant 0 : i32
    %dma_start3A_2 = arith.constant 0 : i32
    %dma_start3A_3 = arith.constant 0 : i32
    %dma_start3A_4 = tpu.memref_slice %arg6[%dma_start3A_1, %dma_start3A_2, %dma_start3A_3] : memref<4x100x128xf32, #tpu.memory_space<vmem>> -> memref<1x100x128xf32, #tpu.memory_space<vmem>>
    %dma_start3A_5 = tpu.memref_squeeze %dma_start3A_4 : memref<1x100x128xf32, #tpu.memory_space<vmem>> -> memref<100x128xf32, #tpu.memory_space<vmem>>
    %dma_start3A_6 = arith.constant 0 : i32
    %dma_start3A_7 = tpu.memref_slice %arg5[%dma_start3A, %dma_start3A_6] : memref<256x128xi32, #tpu.memory_space<vmem>> -> memref<1x100xi32, #tpu.memory_space<vmem>>
    %dma_start3A_8 = tpu.memref_squeeze %dma_start3A_7 : memref<1x100xi32, #tpu.memory_space<vmem>> -> memref<100xi32, #tpu.memory_space<vmem>>
    %dma_start3A_9 = arith.constant 0 : i32
    %dma_start3A_10 = arith.constant 0 : i32
    %dma_start3A_11 = tpu.memref_slice %arg3[%dma_start3A_9, %dma_start3A_10] : memref<1000000x128xf32, #tpu.memory_space<hbm>> -> memref<1000000x128xf32, #tpu.memory_space<hbm>>
    tpu.enqueue_indirect_dma source(%dma_start3A_11 : memref<1000000x128xf32, #tpu.memory_space<hbm>>) target(%dma_start3A_5 : memref<100x128xf32, #tpu.memory_space<vmem>>) offsets(%dma_start3A_8 : memref<100xi32, #tpu.memory_space<vmem>>) semaphore(%arg8 : memref<!tpu.dma_semaphore, #tpu.memory_space<semaphore_mem>>)
    %dma_start3A_12 = arith.constant 1 : i32
    %dma_start3A_13 = arith.constant 1 : i32
    %dma_start3A_14 = arith.constant 0 : i32
    %dma_start3A_15 = arith.constant 0 : i32
    %dma_start3A_16 = tpu.memref_slice %arg6[%dma_start3A_13, %dma_start3A_14, %dma_start3A_15] : memref<4x100x128xf32, #tpu.memory_space<vmem>> -> memref<1x100x128xf32, #tpu.memory_space<vmem>>
    %dma_start3A_17 = tpu.memref_squeeze %dma_start3A_16 : memref<1x100x128xf32, #tpu.memory_space<vmem>> -> memref<100x128xf32, #tpu.memory_space<vmem>>
    %dma_start3A_18 = arith.constant 0 : i32
    %dma_start3A_19 = tpu.memref_slice %arg5[%dma_start3A_12, %dma_start3A_18] : memref<256x128xi32, #tpu.memory_space<vmem>> -> memref<1x100xi32, #tpu.memory_space<vmem>>
    %dma_start3A_20 = tpu.memref_squeeze %dma_start3A_19 : memref<1x100xi32, #tpu.memory_space<vmem>> -> memref<100xi32, #tpu.memory_space<vmem>>
    %dma_start3A_21 = arith.constant 0 : i32
    %dma_start3A_22 = arith.constant 0 : i32
    %dma_start3A_23 = tpu.memref_slice %arg3[%dma_start3A_21, %dma_start3A_22] : memref<1000000x128xf32, #tpu.memory_space<hbm>> -> memref<1000000x128xf32, #tpu.memory_space<hbm>>
    tpu.enqueue_indirect_dma source(%dma_start3A_23 : memref<1000000x128xf32, #tpu.memory_space<hbm>>) target(%dma_start3A_17 : memref<100x128xf32, #tpu.memory_space<vmem>>) offsets(%dma_start3A_20 : memref<100xi32, #tpu.memory_space<vmem>>) semaphore(%arg9 : memref<!tpu.dma_semaphore, #tpu.memory_space<semaphore_mem>>)
    %dma_start3A_24 = arith.constant 2 : i32
    %dma_start3A_25 = arith.constant 2 : i32
    %dma_start3A_26 = arith.constant 0 : i32
    %dma_start3A_27 = arith.constant 0 : i32
    %dma_start3A_28 = tpu.memref_slice %arg6[%dma_start3A_25, %dma_start3A_26, %dma_start3A_27] : memref<4x100x128xf32, #tpu.memory_space<vmem>> -> memref<1x100x128xf32, #tpu.memory_space<vmem>>
    %dma_start3A_29 = tpu.memref_squeeze %dma_start3A_28 : memref<1x100x128xf32, #tpu.memory_space<vmem>> -> memref<100x128xf32, #tpu.memory_space<vmem>>
    %dma_start3A_30 = arith.constant 0 : i32
    %dma_start3A_31 = tpu.memref_slice %arg5[%dma_start3A_24, %dma_start3A_30] : memref<256x128xi32, #tpu.memory_space<vmem>> -> memref<1x100xi32, #tpu.memory_space<vmem>>
    %dma_start3A_32 = tpu.memref_squeeze %dma_start3A_31 : memref<1x100xi32, #tpu.memory_space<vmem>> -> memref<100xi32, #tpu.memory_space<vmem>>
    %dma_start3A_33 = arith.constant 0 : i32
    %dma_start3A_34 = arith.constant 0 : i32
    %dma_start3A_35 = tpu.memref_slice %arg3[%dma_start3A_33, %dma_start3A_34] : memref<1000000x128xf32, #tpu.memory_space<hbm>> -> memref<1000000x128xf32, #tpu.memory_space<hbm>>
    tpu.enqueue_indirect_dma source(%dma_start3A_35 : memref<1000000x128xf32, #tpu.memory_space<hbm>>) target(%dma_start3A_29 : memref<100x128xf32, #tpu.memory_space<vmem>>) offsets(%dma_start3A_32 : memref<100xi32, #tpu.memory_space<vmem>>) semaphore(%arg10 : memref<!tpu.dma_semaphore, #tpu.memory_space<semaphore_mem>>)
    %dma_start3A_36 = arith.constant 3 : i32
    %dma_start3A_37 = arith.constant 3 : i32
    %dma_start3A_38 = arith.constant 0 : i32
    %dma_start3A_39 = arith.constant 0 : i32
    %dma_start3A_40 = tpu.memref_slice %arg6[%dma_start3A_37, %dma_start3A_38, %dma_start3A_39] : memref<4x100x128xf32, #tpu.memory_space<vmem>> -> memref<1x100x128xf32, #tpu.memory_space<vmem>>
    %dma_start3A_41 = tpu.memref_squeeze %dma_start3A_40 : memref<1x100x128xf32, #tpu.memory_space<vmem>> -> memref<100x128xf32, #tpu.memory_space<vmem>>
    %dma_start3A_42 = arith.constant 0 : i32
    %dma_start3A_43 = tpu.memref_slice %arg5[%dma_start3A_36, %dma_start3A_42] : memref<256x128xi32, #tpu.memory_space<vmem>> -> memref<1x100xi32, #tpu.memory_space<vmem>>
    %dma_start3A_44 = tpu.memref_squeeze %dma_start3A_43 : memref<1x100xi32, #tpu.memory_space<vmem>> -> memref<100xi32, #tpu.memory_space<vmem>>
    %dma_start3A_45 = arith.constant 0 : i32
    %dma_start3A_46 = arith.constant 0 : i32
    %dma_start3A_47 = tpu.memref_slice %arg3[%dma_start3A_45, %dma_start3A_46] : memref<1000000x128xf32, #tpu.memory_space<hbm>> -> memref<1000000x128xf32, #tpu.memory_space<hbm>>
    tpu.enqueue_indirect_dma source(%dma_start3A_47 : memref<1000000x128xf32, #tpu.memory_space<hbm>>) target(%dma_start3A_41 : memref<100x128xf32, #tpu.memory_space<vmem>>) offsets(%dma_start3A_44 : memref<100xi32, #tpu.memory_space<vmem>>) semaphore(%arg11 : memref<!tpu.dma_semaphore, #tpu.memory_space<semaphore_mem>>)
    %scan3A = arith.constant 0 : i32
    %scan3A_48 = arith.constant 0 : i32
    %scan3A_49 = arith.constant 64 : i32
    %scan3A_50 = arith.addi %scan3A_48, %scan3A_49 : i32
    %scan3A_51 = arith.constant 1 : i32
    scf.for %scan3A_55 = %scan3A_48 to %scan3A_50 step %scan3A_51  : i32 {
      %mul3A_56 = arith.constant 2 : i32
      %mul3A_57 = arith.muli %scan3A_55, %mul3A_56 : i32
      %add3A_58 = arith.constant 0 : i32
      %add3A_59 = arith.addi %mul3A_57, %add3A_58 : i32
      %broadcast_in_dim3A = arith.constant 0.000000e+00 : f32
      %broadcast_in_dim3A_60 = vector.broadcast %broadcast_in_dim3A : f32 to vector<16xf32>
      %broadcast_in_dim3A_61 = arith.constant 0.000000e+00 : f32
      %broadcast_in_dim3A_62 = vector.broadcast %broadcast_in_dim3A_61 : f32 to vector<16xf32>
      %broadcast_in_dim3A_63 = arith.constant 0.000000e+00 : f32
      %broadcast_in_dim3A_64 = vector.broadcast %broadcast_in_dim3A_63 : f32 to vector<16xf32>
      %broadcast_in_dim3A_65 = arith.constant 0.000000e+00 : f32
      %broadcast_in_dim3A_66 = vector.broadcast %broadcast_in_dim3A_65 : f32 to vector<16xf32>
      %dma_wait3A = arith.constant 0 : i32
      %dma_wait3A_67 = arith.constant 0 : i32
      %dma_wait3A_68 = arith.constant 0 : i32
      %dma_wait3A_69 = arith.constant 0 : i32
      %dma_wait3A_70 = tpu.memref_slice %arg6[%dma_wait3A_67, %dma_wait3A_68, %dma_wait3A_69] : memref<4x100x128xf32, #tpu.memory_space<vmem>> -> memref<1x100x128xf32, #tpu.memory_space<vmem>>
      %dma_wait3A_71 = tpu.memref_squeeze %dma_wait3A_70 : memref<1x100x128xf32, #tpu.memory_space<vmem>> -> memref<100x128xf32, #tpu.memory_space<vmem>>
      %dma_wait3A_72 = arith.constant 0 : i32
      %dma_wait3A_73 = tpu.memref_slice %arg5[%dma_wait3A, %dma_wait3A_72] : memref<256x128xi32, #tpu.memory_space<vmem>> -> memref<1x100xi32, #tpu.memory_space<vmem>>
      %dma_wait3A_74 = tpu.memref_squeeze %dma_wait3A_73 : memref<1x100xi32, #tpu.memory_space<vmem>> -> memref<100xi32, #tpu.memory_space<vmem>>
      %dma_wait3A_75 = arith.constant 0 : i32
      %dma_wait3A_76 = arith.constant 0 : i32
      %dma_wait3A_77 = tpu.memref_slice %arg3[%dma_wait3A_75, %dma_wait3A_76] : memref<1000000x128xf32, #tpu.memory_space<hbm>> -> memref<1000000x128xf32, #tpu.memory_space<hbm>>
      tpu.wait_indirect_dma semaphore(%arg8 : memref<!tpu.dma_semaphore, #tpu.memory_space<semaphore_mem>>) src(%dma_wait3A_77 : memref<1000000x128xf32, #tpu.memory_space<hbm>>) dst(%dma_wait3A_71 : memref<100x128xf32, #tpu.memory_space<vmem>>)
      %scan3A_78 = arith.constant 0 : i32
      %scan3A_79 = arith.constant 100 : i32
      %scan3A_80 = arith.addi %scan3A_78, %scan3A_79 : i32
      %scan3A_81 = arith.constant 4 : i32
      %scan3A_82:4 = scf.for %scan3A_254 = %scan3A_78 to %scan3A_80 step %scan3A_81 iter_args(%scan3A_255 = %broadcast_in_dim3A_60, %scan3A_256 = %broadcast_in_dim3A_62, %scan3A_257 = %broadcast_in_dim3A_64, %scan3A_258 = %broadcast_in_dim3A_66) -> (vector<16xf32>, vector<16xf32>, vector<16xf32>, vector<16xf32>)  : i32 {
        %get3A = arith.constant 0 : i32
        %get3A_259 = arith.index_cast %get3A : i32 to index
        %get3A_260 = arith.index_cast %scan3A_254 : i32 to index
        %get3A_261 = arith.constant 0 : index
        %get3A_262 = tpu.vector_load %arg6[%get3A_259, %get3A_260, %get3A_261] {strides = array<i32>} : memref<4x100x128xf32, #tpu.memory_space<vmem>>, vector<1x1x16xf32>,
        %get3A_263 = vector.shape_cast %get3A_262 : vector<1x1x16xf32> to vector<16xf32>
        %add3A_264 = arith.addf %scan3A_255, %get3A_263 : vector<16xf32>
        %get3A_265 = arith.constant 0 : i32
        %get3A_266 = arith.index_cast %get3A_265 : i32 to index
        %get3A_267 = arith.index_cast %scan3A_254 : i32 to index
        %get3A_268 = arith.constant 16 : index
        %get3A_269 = tpu.vector_load %arg6[%get3A_266, %get3A_267, %get3A_268] {strides = array<i32>} : memref<4x100x128xf32, #tpu.memory_space<vmem>>, vector<1x1x16xf32>,
        %get3A_270 = vector.shape_cast %get3A_269 : vector<1x1x16xf32> to vector<16xf32>
        %add3A_271 = arith.addf %scan3A_256, %get3A_270 : vector<16xf32>
        %get3A_272 = arith.constant 0 : i32
        %get3A_273 = arith.index_cast %get3A_272 : i32 to index
        %get3A_274 = arith.index_cast %scan3A_254 : i32 to index
        %get3A_275 = arith.constant 32 : index
        %get3A_276 = tpu.vector_load %arg6[%get3A_273, %get3A_274, %get3A_275] {strides = array<i32>} : memref<4x100x128xf32, #tpu.memory_space<vmem>>, vector<1x1x16xf32>,
        %get3A_277 = vector.shape_cast %get3A_276 : vector<1x1x16xf32> to vector<16xf32>
        %add3A_278 = arith.addf %scan3A_257, %get3A_277 : vector<16xf32>
        %get3A_279 = arith.constant 0 : i32
        %get3A_280 = arith.index_cast %get3A_279 : i32 to index
        %get3A_281 = arith.index_cast %scan3A_254 : i32 to index
        %get3A_282 = arith.constant 48 : index
        %get3A_283 = tpu.vector_load %arg6[%get3A_280, %get3A_281, %get3A_282] {strides = array<i32>} : memref<4x100x128xf32, #tpu.memory_space<vmem>>, vector<1x1x16xf32>,
        %get3A_284 = vector.shape_cast %get3A_283 : vector<1x1x16xf32> to vector<16xf32>
        %add3A_285 = arith.addf %scan3A_258, %get3A_284 : vector<16xf32>
        %scan3A_286 = arith.constant 1 : i32
        %scan3A_287 = arith.addi %scan3A_254, %scan3A_286 : i32
        %get3A_288 = arith.constant 0 : i32
        %get3A_289 = arith.index_cast %get3A_288 : i32 to index
        %get3A_290 = arith.index_cast %scan3A_287 : i32 to index
        %get3A_291 = arith.constant 0 : index
        %get3A_292 = tpu.vector_load %arg6[%get3A_289, %get3A_290, %get3A_291] {strides = array<i32>} : memref<4x100x128xf32, #tpu.memory_space<vmem>>, vector<1x1x16xf32>,
        %get3A_293 = vector.shape_cast %get3A_292 : vector<1x1x16xf32> to vector<16xf32>
        %add3A_294 = arith.addf %add3A_264, %get3A_293 : vector<16xf32>
        %get3A_295 = arith.constant 0 : i32
        %get3A_296 = arith.index_cast %get3A_295 : i32 to index
        %get3A_297 = arith.index_cast %scan3A_287 : i32 to index
        %get3A_298 = arith.constant 16 : index
        %get3A_299 = tpu.vector_load %arg6[%get3A_296, %get3A_297, %get3A_298] {strides = array<i32>} : memref<4x100x128xf32, #tpu.memory_space<vmem>>, vector<1x1x16xf32>,
        %get3A_300 = vector.shape_cast %get3A_299 : vector<1x1x16xf32> to vector<16xf32>
        %add3A_301 = arith.addf %add3A_271, %get3A_300 : vector<16xf32>
        %get3A_302 = arith.constant 0 : i32
        %get3A_303 = arith.index_cast %get3A_302 : i32 to index
        %get3A_304 = arith.index_cast %scan3A_287 : i32 to index
        %get3A_305 = arith.constant 32 : index
        %get3A_306 = tpu.vector_load %arg6[%get3A_303, %get3A_304, %get3A_305] {strides = array<i32>} : memref<4x100x128xf32, #tpu.memory_space<vmem>>, vector<1x1x16xf32>,
        %get3A_307 = vector.shape_cast %get3A_306 : vector<1x1x16xf32> to vector<16xf32>
        %add3A_308 = arith.addf %add3A_278, %get3A_307 : vector<16xf32>
        %get3A_309 = arith.constant 0 : i32
        %get3A_310 = arith.index_cast %get3A_309 : i32 to index
        %get3A_311 = arith.index_cast %scan3A_287 : i32 to index
        %get3A_312 = arith.constant 48 : index
        %get3A_313 = tpu.vector_load %arg6[%get3A_310, %get3A_311, %get3A_312] {strides = array<i32>} : memref<4x100x128xf32, #tpu.memory_space<vmem>>, vector<1x1x16xf32>,
        %get3A_314 = vector.shape_cast %get3A_313 : vector<1x1x16xf32> to vector<16xf32>
        %add3A_315 = arith.addf %add3A_285, %get3A_314 : vector<16xf32>
        %scan3A_316 = arith.constant 2 : i32
        %scan3A_317 = arith.addi %scan3A_254, %scan3A_316 : i32
        %get3A_318 = arith.constant 0 : i32
        %get3A_319 = arith.index_cast %get3A_318 : i32 to index
        %get3A_320 = arith.index_cast %scan3A_317 : i32 to index
        %get3A_321 = arith.constant 0 : index
        %get3A_322 = tpu.vector_load %arg6[%get3A_319, %get3A_320, %get3A_321] {strides = array<i32>} : memref<4x100x128xf32, #tpu.memory_space<vmem>>, vector<1x1x16xf32>,
        %get3A_323 = vector.shape_cast %get3A_322 : vector<1x1x16xf32> to vector<16xf32>
        %add3A_324 = arith.addf %add3A_294, %get3A_323 : vector<16xf32>
        %get3A_325 = arith.constant 0 : i32
        %get3A_326 = arith.index_cast %get3A_325 : i32 to index
        %get3A_327 = arith.index_cast %scan3A_317 : i32 to index
        %get3A_328 = arith.constant 16 : index
        %get3A_329 = tpu.vector_load %arg6[%get3A_326, %get3A_327, %get3A_328] {strides = array<i32>} : memref<4x100x128xf32, #tpu.memory_space<vmem>>, vector<1x1x16xf32>,
        %get3A_330 = vector.shape_cast %get3A_329 : vector<1x1x16xf32> to vector<16xf32>
        %add3A_331 = arith.addf %add3A_301, %get3A_330 : vector<16xf32>
        %get3A_332 = arith.constant 0 : i32
        %get3A_333 = arith.index_cast %get3A_332 : i32 to index
        %get3A_334 = arith.index_cast %scan3A_317 : i32 to index
        %get3A_335 = arith.constant 32 : index
        %get3A_336 = tpu.vector_load %arg6[%get3A_333, %get3A_334, %get3A_335] {strides = array<i32>} : memref<4x100x128xf32, #tpu.memory_space<vmem>>, vector<1x1x16xf32>,
        %get3A_337 = vector.shape_cast %get3A_336 : vector<1x1x16xf32> to vector<16xf32>
        %add3A_338 = arith.addf %add3A_308, %get3A_337 : vector<16xf32>
        %get3A_339 = arith.constant 0 : i32
        %get3A_340 = arith.index_cast %get3A_339 : i32 to index
        %get3A_341 = arith.index_cast %scan3A_317 : i32 to index
        %get3A_342 = arith.constant 48 : index
        %get3A_343 = tpu.vector_load %arg6[%get3A_340, %get3A_341, %get3A_342] {strides = array<i32>} : memref<4x100x128xf32, #tpu.memory_space<vmem>>, vector<1x1x16xf32>,
        %get3A_344 = vector.shape_cast %get3A_343 : vector<1x1x16xf32> to vector<16xf32>
        %add3A_345 = arith.addf %add3A_315, %get3A_344 : vector<16xf32>
        %scan3A_346 = arith.constant 3 : i32
        %scan3A_347 = arith.addi %scan3A_254, %scan3A_346 : i32
        %get3A_348 = arith.constant 0 : i32
        %get3A_349 = arith.index_cast %get3A_348 : i32 to index
        %get3A_350 = arith.index_cast %scan3A_347 : i32 to index
        %get3A_351 = arith.constant 0 : index
        %get3A_352 = tpu.vector_load %arg6[%get3A_349, %get3A_350, %get3A_351] {strides = array<i32>} : memref<4x100x128xf32, #tpu.memory_space<vmem>>, vector<1x1x16xf32>,
        %get3A_353 = vector.shape_cast %get3A_352 : vector<1x1x16xf32> to vector<16xf32>
        %add3A_354 = arith.addf %add3A_324, %get3A_353 : vector<16xf32>
        %get3A_355 = arith.constant 0 : i32
        %get3A_356 = arith.index_cast %get3A_355 : i32 to index
        %get3A_357 = arith.index_cast %scan3A_347 : i32 to index
        %get3A_358 = arith.constant 16 : index
        %get3A_359 = tpu.vector_load %arg6[%get3A_356, %get3A_357, %get3A_358] {strides = array<i32>} : memref<4x100x128xf32, #tpu.memory_space<vmem>>, vector<1x1x16xf32>,
        %get3A_360 = vector.shape_cast %get3A_359 : vector<1x1x16xf32> to vector<16xf32>
        %add3A_361 = arith.addf %add3A_331, %get3A_360 : vector<16xf32>
        %get3A_362 = arith.constant 0 : i32
        %get3A_363 = arith.index_cast %get3A_362 : i32 to index
        %get3A_364 = arith.index_cast %scan3A_347 : i32 to index
        %get3A_365 = arith.constant 32 : index
        %get3A_366 = tpu.vector_load %arg6[%get3A_363, %get3A_364, %get3A_365] {strides = array<i32>} : memref<4x100x128xf32, #tpu.memory_space<vmem>>, vector<1x1x16xf32>,
        %get3A_367 = vector.shape_cast %get3A_366 : vector<1x1x16xf32> to vector<16xf32>
        %add3A_368 = arith.addf %add3A_338, %get3A_367 : vector<16xf32>
        %get3A_369 = arith.constant 0 : i32
        %get3A_370 = arith.index_cast %get3A_369 : i32 to index
        %get3A_371 = arith.index_cast %scan3A_347 : i32 to index
        %get3A_372 = arith.constant 48 : index
        %get3A_373 = tpu.vector_load %arg6[%get3A_370, %get3A_371, %get3A_372] {strides = array<i32>} : memref<4x100x128xf32, #tpu.memory_space<vmem>>, vector<1x1x16xf32>,
        %get3A_374 = vector.shape_cast %get3A_373 : vector<1x1x16xf32> to vector<16xf32>
        %add3A_375 = arith.addf %add3A_345, %get3A_374 : vector<16xf32>
        scf.yield %add3A_354, %add3A_361, %add3A_368, %add3A_375 : vector<16xf32>, vector<16xf32>, vector<16xf32>, vector<16xf32>
      }
      %scan3A_83 = arith.constant 100 : i32
      %add3A_84 = arith.constant 1 : i32
      %add3A_85 = arith.addi %scan3A_55, %add3A_84 : i32
      %mul3A_86 = arith.constant 4 : i32
      %mul3A_87 = arith.muli %add3A_85, %mul3A_86 : i32
      %add3A_88 = arith.constant 0 : i32
      %add3A_89 = arith.addi %mul3A_87, %add3A_88 : i32
      %lt3A = arith.constant 256 : i32
      %lt3A_90 = arith.cmpi slt, %add3A_89, %lt3A : i32
      %convert_element_type3A = arith.extui %lt3A_90 : i1 to i32
      %cond3A = arith.constant 0 : i32
      %cond3A_91 = arith.cmpi ne, %convert_element_type3A, %cond3A : i32
      scf.if %cond3A_91 {
        %dma_start3A_254 = arith.constant 0 : i32
        %dma_start3A_255 = arith.constant 0 : i32
        %dma_start3A_256 = arith.constant 0 : i32
        %dma_start3A_257 = tpu.memref_slice %arg6[%dma_start3A_254, %dma_start3A_255, %dma_start3A_256] : memref<4x100x128xf32, #tpu.memory_space<vmem>> -> memref<1x100x128xf32, #tpu.memory_space<vmem>>
        %dma_start3A_258 = tpu.memref_squeeze %dma_start3A_257 : memref<1x100x128xf32, #tpu.memory_space<vmem>> -> memref<100x128xf32, #tpu.memory_space<vmem>>
        %dma_start3A_259 = arith.constant 0 : i32
        %dma_start3A_260 = tpu.memref_slice %arg5[%add3A_89, %dma_start3A_259] : memref<256x128xi32, #tpu.memory_space<vmem>> -> memref<1x100xi32, #tpu.memory_space<vmem>>
        %dma_start3A_261 = tpu.memref_squeeze %dma_start3A_260 : memref<1x100xi32, #tpu.memory_space<vmem>> -> memref<100xi32, #tpu.memory_space<vmem>>
        %dma_start3A_262 = arith.constant 0 : i32
        %dma_start3A_263 = arith.constant 0 : i32
        %dma_start3A_264 = tpu.memref_slice %arg3[%dma_start3A_262, %dma_start3A_263] : memref<1000000x128xf32, #tpu.memory_space<hbm>> -> memref<1000000x128xf32, #tpu.memory_space<hbm>>
        tpu.enqueue_indirect_dma source(%dma_start3A_264 : memref<1000000x128xf32, #tpu.memory_space<hbm>>) target(%dma_start3A_258 : memref<100x128xf32, #tpu.memory_space<vmem>>) offsets(%dma_start3A_261 : memref<100xi32, #tpu.memory_space<vmem>>) semaphore(%arg8 : memref<!tpu.dma_semaphore, #tpu.memory_space<semaphore_mem>>)
      } else {
      }
      %dma_wait3A_92 = arith.constant 0 : i32
      %dma_wait3A_93 = arith.constant 1 : i32
      %dma_wait3A_94 = arith.constant 0 : i32
      %dma_wait3A_95 = arith.constant 0 : i32
      %dma_wait3A_96 = tpu.memref_slice %arg6[%dma_wait3A_93, %dma_wait3A_94, %dma_wait3A_95] : memref<4x100x128xf32, #tpu.memory_space<vmem>> -> memref<1x100x128xf32, #tpu.memory_space<vmem>>
      %dma_wait3A_97 = tpu.memref_squeeze %dma_wait3A_96 : memref<1x100x128xf32, #tpu.memory_space<vmem>> -> memref<100x128xf32, #tpu.memory_space<vmem>>
      %dma_wait3A_98 = arith.constant 0 : i32
      %dma_wait3A_99 = tpu.memref_slice %arg5[%dma_wait3A_92, %dma_wait3A_98] : memref<256x128xi32, #tpu.memory_space<vmem>> -> memref<1x100xi32, #tpu.memory_space<vmem>>
      %dma_wait3A_100 = tpu.memref_squeeze %dma_wait3A_99 : memref<1x100xi32, #tpu.memory_space<vmem>> -> memref<100xi32, #tpu.memory_space<vmem>>
      %dma_wait3A_101 = arith.constant 0 : i32
      %dma_wait3A_102 = arith.constant 0 : i32
      %dma_wait3A_103 = tpu.memref_slice %arg3[%dma_wait3A_101, %dma_wait3A_102] : memref<1000000x128xf32, #tpu.memory_space<hbm>> -> memref<1000000x128xf32, #tpu.memory_space<hbm>>
      tpu.wait_indirect_dma semaphore(%arg9 : memref<!tpu.dma_semaphore, #tpu.memory_space<semaphore_mem>>) src(%dma_wait3A_103 : memref<1000000x128xf32, #tpu.memory_space<hbm>>) dst(%dma_wait3A_97 : memref<100x128xf32, #tpu.memory_space<vmem>>)
      %scan3A_104 = arith.constant 0 : i32
      %scan3A_105 = arith.constant 100 : i32
      %scan3A_106 = arith.addi %scan3A_104, %scan3A_105 : i32
      %scan3A_107 = arith.constant 4 : i32
      %scan3A_108:4 = scf.for %scan3A_254 = %scan3A_104 to %scan3A_106 step %scan3A_107 iter_args(%scan3A_255 = %scan3A_82#0, %scan3A_256 = %scan3A_82#1, %scan3A_257 = %scan3A_82#2, %scan3A_258 = %scan3A_82#3) -> (vector<16xf32>, vector<16xf32>, vector<16xf32>, vector<16xf32>)  : i32 {
        %get3A = arith.constant 1 : i32
        %get3A_259 = arith.index_cast %get3A : i32 to index
        %get3A_260 = arith.index_cast %scan3A_254 : i32 to index
        %get3A_261 = arith.constant 0 : index
        %get3A_262 = tpu.vector_load %arg6[%get3A_259, %get3A_260, %get3A_261] {strides = array<i32>} : memref<4x100x128xf32, #tpu.memory_space<vmem>>, vector<1x1x16xf32>,
        %get3A_263 = vector.shape_cast %get3A_262 : vector<1x1x16xf32> to vector<16xf32>
        %add3A_264 = arith.addf %scan3A_255, %get3A_263 : vector<16xf32>
        %get3A_265 = arith.constant 1 : i32
        %get3A_266 = arith.index_cast %get3A_265 : i32 to index
        %get3A_267 = arith.index_cast %scan3A_254 : i32 to index
        %get3A_268 = arith.constant 16 : index
        %get3A_269 = tpu.vector_load %arg6[%get3A_266, %get3A_267, %get3A_268] {strides = array<i32>} : memref<4x100x128xf32, #tpu.memory_space<vmem>>, vector<1x1x16xf32>,
        %get3A_270 = vector.shape_cast %get3A_269 : vector<1x1x16xf32> to vector<16xf32>
        %add3A_271 = arith.addf %scan3A_256, %get3A_270 : vector<16xf32>
        %get3A_272 = arith.constant 1 : i32
        %get3A_273 = arith.index_cast %get3A_272 : i32 to index
        %get3A_274 = arith.index_cast %scan3A_254 : i32 to index
        %get3A_275 = arith.constant 32 : index
        %get3A_276 = tpu.vector_load %arg6[%get3A_273, %get3A_274, %get3A_275] {strides = array<i32>} : memref<4x100x128xf32, #tpu.memory_space<vmem>>, vector<1x1x16xf32>,
        %get3A_277 = vector.shape_cast %get3A_276 : vector<1x1x16xf32> to vector<16xf32>
        %add3A_278 = arith.addf %scan3A_257, %get3A_277 : vector<16xf32>
        %get3A_279 = arith.constant 1 : i32
        %get3A_280 = arith.index_cast %get3A_279 : i32 to index
        %get3A_281 = arith.index_cast %scan3A_254 : i32 to index
        %get3A_282 = arith.constant 48 : index
        %get3A_283 = tpu.vector_load %arg6[%get3A_280, %get3A_281, %get3A_282] {strides = array<i32>} : memref<4x100x128xf32, #tpu.memory_space<vmem>>, vector<1x1x16xf32>,
        %get3A_284 = vector.shape_cast %get3A_283 : vector<1x1x16xf32> to vector<16xf32>
        %add3A_285 = arith.addf %scan3A_258, %get3A_284 : vector<16xf32>
        %scan3A_286 = arith.constant 1 : i32
        %scan3A_287 = arith.addi %scan3A_254, %scan3A_286 : i32
        %get3A_288 = arith.constant 1 : i32
        %get3A_289 = arith.index_cast %get3A_288 : i32 to index
        %get3A_290 = arith.index_cast %scan3A_287 : i32 to index
        %get3A_291 = arith.constant 0 : index
        %get3A_292 = tpu.vector_load %arg6[%get3A_289, %get3A_290, %get3A_291] {strides = array<i32>} : memref<4x100x128xf32, #tpu.memory_space<vmem>>, vector<1x1x16xf32>,
        %get3A_293 = vector.shape_cast %get3A_292 : vector<1x1x16xf32> to vector<16xf32>
        %add3A_294 = arith.addf %add3A_264, %get3A_293 : vector<16xf32>
        %get3A_295 = arith.constant 1 : i32
        %get3A_296 = arith.index_cast %get3A_295 : i32 to index
        %get3A_297 = arith.index_cast %scan3A_287 : i32 to index
        %get3A_298 = arith.constant 16 : index
        %get3A_299 = tpu.vector_load %arg6[%get3A_296, %get3A_297, %get3A_298] {strides = array<i32>} : memref<4x100x128xf32, #tpu.memory_space<vmem>>, vector<1x1x16xf32>,
        %get3A_300 = vector.shape_cast %get3A_299 : vector<1x1x16xf32> to vector<16xf32>
        %add3A_301 = arith.addf %add3A_271, %get3A_300 : vector<16xf32>
        %get3A_302 = arith.constant 1 : i32
        %get3A_303 = arith.index_cast %get3A_302 : i32 to index
        %get3A_304 = arith.index_cast %scan3A_287 : i32 to index
        %get3A_305 = arith.constant 32 : index
        %get3A_306 = tpu.vector_load %arg6[%get3A_303, %get3A_304, %get3A_305] {strides = array<i32>} : memref<4x100x128xf32, #tpu.memory_space<vmem>>, vector<1x1x16xf32>,
        %get3A_307 = vector.shape_cast %get3A_306 : vector<1x1x16xf32> to vector<16xf32>
        %add3A_308 = arith.addf %add3A_278, %get3A_307 : vector<16xf32>
        %get3A_309 = arith.constant 1 : i32
        %get3A_310 = arith.index_cast %get3A_309 : i32 to index
        %get3A_311 = arith.index_cast %scan3A_287 : i32 to index
        %get3A_312 = arith.constant 48 : index
        %get3A_313 = tpu.vector_load %arg6[%get3A_310, %get3A_311, %get3A_312] {strides = array<i32>} : memref<4x100x128xf32, #tpu.memory_space<vmem>>, vector<1x1x16xf32>,
        %get3A_314 = vector.shape_cast %get3A_313 : vector<1x1x16xf32> to vector<16xf32>
        %add3A_315 = arith.addf %add3A_285, %get3A_314 : vector<16xf32>
        %scan3A_316 = arith.constant 2 : i32
        %scan3A_317 = arith.addi %scan3A_254, %scan3A_316 : i32
        %get3A_318 = arith.constant 1 : i32
        %get3A_319 = arith.index_cast %get3A_318 : i32 to index
        %get3A_320 = arith.index_cast %scan3A_317 : i32 to index
        %get3A_321 = arith.constant 0 : index
        %get3A_322 = tpu.vector_load %arg6[%get3A_319, %get3A_320, %get3A_321] {strides = array<i32>} : memref<4x100x128xf32, #tpu.memory_space<vmem>>, vector<1x1x16xf32>,
        %get3A_323 = vector.shape_cast %get3A_322 : vector<1x1x16xf32> to vector<16xf32>
        %add3A_324 = arith.addf %add3A_294, %get3A_323 : vector<16xf32>
        %get3A_325 = arith.constant 1 : i32
        %get3A_326 = arith.index_cast %get3A_325 : i32 to index
        %get3A_327 = arith.index_cast %scan3A_317 : i32 to index
        %get3A_328 = arith.constant 16 : index
        %get3A_329 = tpu.vector_load %arg6[%get3A_326, %get3A_327, %get3A_328] {strides = array<i32>} : memref<4x100x128xf32, #tpu.memory_space<vmem>>, vector<1x1x16xf32>,
        %get3A_330 = vector.shape_cast %get3A_329 : vector<1x1x16xf32> to vector<16xf32>
        %add3A_331 = arith.addf %add3A_301, %get3A_330 : vector<16xf32>
        %get3A_332 = arith.constant 1 : i32
        %get3A_333 = arith.index_cast %get3A_332 : i32 to index
        %get3A_334 = arith.index_cast %scan3A_317 : i32 to index
        %get3A_335 = arith.constant 32 : index
        %get3A_336 = tpu.vector_load %arg6[%get3A_333, %get3A_334, %get3A_335] {strides = array<i32>} : memref<4x100x128xf32, #tpu.memory_space<vmem>>, vector<1x1x16xf32>,
        %get3A_337 = vector.shape_cast %get3A_336 : vector<1x1x16xf32> to vector<16xf32>
        %add3A_338 = arith.addf %add3A_308, %get3A_337 : vector<16xf32>
        %get3A_339 = arith.constant 1 : i32
        %get3A_340 = arith.index_cast %get3A_339 : i32 to index
        %get3A_341 = arith.index_cast %scan3A_317 : i32 to index
        %get3A_342 = arith.constant 48 : index
        %get3A_343 = tpu.vector_load %arg6[%get3A_340, %get3A_341, %get3A_342] {strides = array<i32>} : memref<4x100x128xf32, #tpu.memory_space<vmem>>, vector<1x1x16xf32>,
        %get3A_344 = vector.shape_cast %get3A_343 : vector<1x1x16xf32> to vector<16xf32>
        %add3A_345 = arith.addf %add3A_315, %get3A_344 : vector<16xf32>
        %scan3A_346 = arith.constant 3 : i32
        %scan3A_347 = arith.addi %scan3A_254, %scan3A_346 : i32
        %get3A_348 = arith.constant 1 : i32
        %get3A_349 = arith.index_cast %get3A_348 : i32 to index
        %get3A_350 = arith.index_cast %scan3A_347 : i32 to index
        %get3A_351 = arith.constant 0 : index
        %get3A_352 = tpu.vector_load %arg6[%get3A_349, %get3A_350, %get3A_351] {strides = array<i32>} : memref<4x100x128xf32, #tpu.memory_space<vmem>>, vector<1x1x16xf32>,
        %get3A_353 = vector.shape_cast %get3A_352 : vector<1x1x16xf32> to vector<16xf32>
        %add3A_354 = arith.addf %add3A_324, %get3A_353 : vector<16xf32>
        %get3A_355 = arith.constant 1 : i32
        %get3A_356 = arith.index_cast %get3A_355 : i32 to index
        %get3A_357 = arith.index_cast %scan3A_347 : i32 to index
        %get3A_358 = arith.constant 16 : index
        %get3A_359 = tpu.vector_load %arg6[%get3A_356, %get3A_357, %get3A_358] {strides = array<i32>} : memref<4x100x128xf32, #tpu.memory_space<vmem>>, vector<1x1x16xf32>,
        %get3A_360 = vector.shape_cast %get3A_359 : vector<1x1x16xf32> to vector<16xf32>
        %add3A_361 = arith.addf %add3A_331, %get3A_360 : vector<16xf32>
        %get3A_362 = arith.constant 1 : i32
        %get3A_363 = arith.index_cast %get3A_362 : i32 to index
        %get3A_364 = arith.index_cast %scan3A_347 : i32 to index
        %get3A_365 = arith.constant 32 : index
        %get3A_366 = tpu.vector_load %arg6[%get3A_363, %get3A_364, %get3A_365] {strides = array<i32>} : memref<4x100x128xf32, #tpu.memory_space<vmem>>, vector<1x1x16xf32>,
        %get3A_367 = vector.shape_cast %get3A_366 : vector<1x1x16xf32> to vector<16xf32>
        %add3A_368 = arith.addf %add3A_338, %get3A_367 : vector<16xf32>
        %get3A_369 = arith.constant 1 : i32
        %get3A_370 = arith.index_cast %get3A_369 : i32 to index
        %get3A_371 = arith.index_cast %scan3A_347 : i32 to index
        %get3A_372 = arith.constant 48 : index
        %get3A_373 = tpu.vector_load %arg6[%get3A_370, %get3A_371, %get3A_372] {strides = array<i32>} : memref<4x100x128xf32, #tpu.memory_space<vmem>>, vector<1x1x16xf32>,
        %get3A_374 = vector.shape_cast %get3A_373 : vector<1x1x16xf32> to vector<16xf32>
        %add3A_375 = arith.addf %add3A_345, %get3A_374 : vector<16xf32>
        scf.yield %add3A_354, %add3A_361, %add3A_368, %add3A_375 : vector<16xf32>, vector<16xf32>, vector<16xf32>, vector<16xf32>
      }
      %scan3A_109 = arith.constant 100 : i32
      %add3A_110 = arith.constant 1 : i32
      %add3A_111 = arith.addi %scan3A_55, %add3A_110 : i32
      %mul3A_112 = arith.constant 4 : i32
      %mul3A_113 = arith.muli %add3A_111, %mul3A_112 : i32
      %add3A_114 = arith.constant 1 : i32
      %add3A_115 = arith.addi %mul3A_113, %add3A_114 : i32
      %lt3A_116 = arith.constant 256 : i32
      %lt3A_117 = arith.cmpi slt, %add3A_115, %lt3A_116 : i32
      %convert_element_type3A_118 = arith.extui %lt3A_117 : i1 to i32
      %cond3A_119 = arith.constant 0 : i32
      %cond3A_120 = arith.cmpi ne, %convert_element_type3A_118, %cond3A_119 : i32
      scf.if %cond3A_120 {
        %dma_start3A_254 = arith.constant 1 : i32
        %dma_start3A_255 = arith.constant 0 : i32
        %dma_start3A_256 = arith.constant 0 : i32
        %dma_start3A_257 = tpu.memref_slice %arg6[%dma_start3A_254, %dma_start3A_255, %dma_start3A_256] : memref<4x100x128xf32, #tpu.memory_space<vmem>> -> memref<1x100x128xf32, #tpu.memory_space<vmem>>
        %dma_start3A_258 = tpu.memref_squeeze %dma_start3A_257 : memref<1x100x128xf32, #tpu.memory_space<vmem>> -> memref<100x128xf32, #tpu.memory_space<vmem>>
        %dma_start3A_259 = arith.constant 0 : i32
        %dma_start3A_260 = tpu.memref_slice %arg5[%add3A_115, %dma_start3A_259] : memref<256x128xi32, #tpu.memory_space<vmem>> -> memref<1x100xi32, #tpu.memory_space<vmem>>
        %dma_start3A_261 = tpu.memref_squeeze %dma_start3A_260 : memref<1x100xi32, #tpu.memory_space<vmem>> -> memref<100xi32, #tpu.memory_space<vmem>>
        %dma_start3A_262 = arith.constant 0 : i32
        %dma_start3A_263 = arith.constant 0 : i32
        %dma_start3A_264 = tpu.memref_slice %arg3[%dma_start3A_262, %dma_start3A_263] : memref<1000000x128xf32, #tpu.memory_space<hbm>> -> memref<1000000x128xf32, #tpu.memory_space<hbm>>
        tpu.enqueue_indirect_dma source(%dma_start3A_264 : memref<1000000x128xf32, #tpu.memory_space<hbm>>) target(%dma_start3A_258 : memref<100x128xf32, #tpu.memory_space<vmem>>) offsets(%dma_start3A_261 : memref<100xi32, #tpu.memory_space<vmem>>) semaphore(%arg9 : memref<!tpu.dma_semaphore, #tpu.memory_space<semaphore_mem>>)
      } else {
      }
      %mul3A_121 = arith.constant 5.000000e-03 : f32
      %mul3A_122 = vector.broadcast %mul3A_121 : f32 to vector<16xf32>
      %mul3A_123 = arith.mulf %scan3A_108#0, %mul3A_122 : vector<16xf32>
      %swap3A = arith.index_cast %add3A_59 : i32 to index
      %swap3A_124 = arith.constant 0 : index
      %swap3A_125 = tpu.vector_load %arg7[%swap3A, %swap3A_124] {strides = array<i32>} : memref<128x64xf32, #tpu.memory_space<vmem>>, vector<1x16xf32>,
      %swap3A_126 = vector.shape_cast %swap3A_125 : vector<1x16xf32> to vector<16xf32>
      %swap3A_127 = vector.shape_cast %mul3A_123 : vector<16xf32> to vector<1x16xf32>
      tpu.vector_store %arg7[%swap3A, %swap3A_124], %swap3A_127 {strides = array<i32>} : memref<128x64xf32, #tpu.memory_space<vmem>>, vector<1x16xf32>,
      %mul3A_128 = arith.constant 5.000000e-03 : f32
      %mul3A_129 = vector.broadcast %mul3A_128 : f32 to vector<16xf32>
      %mul3A_130 = arith.mulf %scan3A_108#1, %mul3A_129 : vector<16xf32>
      %swap3A_131 = arith.index_cast %add3A_59 : i32 to index
      %swap3A_132 = arith.constant 16 : index
      %swap3A_133 = tpu.vector_load %arg7[%swap3A_131, %swap3A_132] {strides = array<i32>} : memref<128x64xf32, #tpu.memory_space<vmem>>, vector<1x16xf32>,
      %swap3A_134 = vector.shape_cast %swap3A_133 : vector<1x16xf32> to vector<16xf32>
      %swap3A_135 = vector.shape_cast %mul3A_130 : vector<16xf32> to vector<1x16xf32>
      tpu.vector_store %arg7[%swap3A_131, %swap3A_132], %swap3A_135 {strides = array<i32>} : memref<128x64xf32, #tpu.memory_space<vmem>>, vector<1x16xf32>,
      %mul3A_136 = arith.constant 5.000000e-03 : f32
      %mul3A_137 = vector.broadcast %mul3A_136 : f32 to vector<16xf32>
      %mul3A_138 = arith.mulf %scan3A_108#2, %mul3A_137 : vector<16xf32>
      %swap3A_139 = arith.index_cast %add3A_59 : i32 to index
      %swap3A_140 = arith.constant 32 : index
      %swap3A_141 = tpu.vector_load %arg7[%swap3A_139, %swap3A_140] {strides = array<i32>} : memref<128x64xf32, #tpu.memory_space<vmem>>, vector<1x16xf32>,
      %swap3A_142 = vector.shape_cast %swap3A_141 : vector<1x16xf32> to vector<16xf32>
      %swap3A_143 = vector.shape_cast %mul3A_138 : vector<16xf32> to vector<1x16xf32>
      tpu.vector_store %arg7[%swap3A_139, %swap3A_140], %swap3A_143 {strides = array<i32>} : memref<128x64xf32, #tpu.memory_space<vmem>>, vector<1x16xf32>,
      %mul3A_144 = arith.constant 5.000000e-03 : f32
      %mul3A_145 = vector.broadcast %mul3A_144 : f32 to vector<16xf32>
      %mul3A_146 = arith.mulf %scan3A_108#3, %mul3A_145 : vector<16xf32>
      %swap3A_147 = arith.index_cast %add3A_59 : i32 to index
      %swap3A_148 = arith.constant 48 : index
      %swap3A_149 = tpu.vector_load %arg7[%swap3A_147, %swap3A_148] {strides = array<i32>} : memref<128x64xf32, #tpu.memory_space<vmem>>, vector<1x16xf32>,
      %swap3A_150 = vector.shape_cast %swap3A_149 : vector<1x16xf32> to vector<16xf32>
      %swap3A_151 = vector.shape_cast %mul3A_146 : vector<16xf32> to vector<1x16xf32>
      tpu.vector_store %arg7[%swap3A_147, %swap3A_148], %swap3A_151 {strides = array<i32>} : memref<128x64xf32, #tpu.memory_space<vmem>>, vector<1x16xf32>,
      %mul3A_152 = arith.constant 2 : i32
      %mul3A_153 = arith.muli %scan3A_55, %mul3A_152 : i32
      %add3A_154 = arith.constant 1 : i32
      %add3A_155 = arith.addi %mul3A_153, %add3A_154 : i32
      %broadcast_in_dim3A_156 = arith.constant 0.000000e+00 : f32
      %broadcast_in_dim3A_157 = vector.broadcast %broadcast_in_dim3A_156 : f32 to vector<16xf32>
      %broadcast_in_dim3A_158 = arith.constant 0.000000e+00 : f32
      %broadcast_in_dim3A_159 = vector.broadcast %broadcast_in_dim3A_158 : f32 to vector<16xf32>
      %broadcast_in_dim3A_160 = arith.constant 0.000000e+00 : f32
      %broadcast_in_dim3A_161 = vector.broadcast %broadcast_in_dim3A_160 : f32 to vector<16xf32>
      %broadcast_in_dim3A_162 = arith.constant 0.000000e+00 : f32
      %broadcast_in_dim3A_163 = vector.broadcast %broadcast_in_dim3A_162 : f32 to vector<16xf32>
      %dma_wait3A_164 = arith.constant 0 : i32
      %dma_wait3A_165 = arith.constant 2 : i32
      %dma_wait3A_166 = arith.constant 0 : i32
      %dma_wait3A_167 = arith.constant 0 : i32
      %dma_wait3A_168 = tpu.memref_slice %arg6[%dma_wait3A_165, %dma_wait3A_166, %dma_wait3A_167] : memref<4x100x128xf32, #tpu.memory_space<vmem>> -> memref<1x100x128xf32, #tpu.memory_space<vmem>>
      %dma_wait3A_169 = tpu.memref_squeeze %dma_wait3A_168 : memref<1x100x128xf32, #tpu.memory_space<vmem>> -> memref<100x128xf32, #tpu.memory_space<vmem>>
      %dma_wait3A_170 = arith.constant 0 : i32
      %dma_wait3A_171 = tpu.memref_slice %arg5[%dma_wait3A_164, %dma_wait3A_170] : memref<256x128xi32, #tpu.memory_space<vmem>> -> memref<1x100xi32, #tpu.memory_space<vmem>>
      %dma_wait3A_172 = tpu.memref_squeeze %dma_wait3A_171 : memref<1x100xi32, #tpu.memory_space<vmem>> -> memref<100xi32, #tpu.memory_space<vmem>>
      %dma_wait3A_173 = arith.constant 0 : i32
      %dma_wait3A_174 = arith.constant 0 : i32
      %dma_wait3A_175 = tpu.memref_slice %arg3[%dma_wait3A_173, %dma_wait3A_174] : memref<1000000x128xf32, #tpu.memory_space<hbm>> -> memref<1000000x128xf32, #tpu.memory_space<hbm>>
      tpu.wait_indirect_dma semaphore(%arg10 : memref<!tpu.dma_semaphore, #tpu.memory_space<semaphore_mem>>) src(%dma_wait3A_175 : memref<1000000x128xf32, #tpu.memory_space<hbm>>) dst(%dma_wait3A_169 : memref<100x128xf32, #tpu.memory_space<vmem>>)
      %scan3A_176 = arith.constant 0 : i32
      %scan3A_177 = arith.constant 100 : i32
      %scan3A_178 = arith.addi %scan3A_176, %scan3A_177 : i32
      %scan3A_179 = arith.constant 4 : i32
      %scan3A_180:4 = scf.for %scan3A_254 = %scan3A_176 to %scan3A_178 step %scan3A_179 iter_args(%scan3A_255 = %broadcast_in_dim3A_157, %scan3A_256 = %broadcast_in_dim3A_159, %scan3A_257 = %broadcast_in_dim3A_161, %scan3A_258 = %broadcast_in_dim3A_163) -> (vector<16xf32>, vector<16xf32>, vector<16xf32>, vector<16xf32>)  : i32 {
        %get3A = arith.constant 2 : i32
        %get3A_259 = arith.index_cast %get3A : i32 to index
        %get3A_260 = arith.index_cast %scan3A_254 : i32 to index
        %get3A_261 = arith.constant 0 : index
        %get3A_262 = tpu.vector_load %arg6[%get3A_259, %get3A_260, %get3A_261] {strides = array<i32>} : memref<4x100x128xf32, #tpu.memory_space<vmem>>, vector<1x1x16xf32>,
        %get3A_263 = vector.shape_cast %get3A_262 : vector<1x1x16xf32> to vector<16xf32>
        %add3A_264 = arith.addf %scan3A_255, %get3A_263 : vector<16xf32>
        %get3A_265 = arith.constant 2 : i32
        %get3A_266 = arith.index_cast %get3A_265 : i32 to index
        %get3A_267 = arith.index_cast %scan3A_254 : i32 to index
        %get3A_268 = arith.constant 16 : index
        %get3A_269 = tpu.vector_load %arg6[%get3A_266, %get3A_267, %get3A_268] {strides = array<i32>} : memref<4x100x128xf32, #tpu.memory_space<vmem>>, vector<1x1x16xf32>,
        %get3A_270 = vector.shape_cast %get3A_269 : vector<1x1x16xf32> to vector<16xf32>
        %add3A_271 = arith.addf %scan3A_256, %get3A_270 : vector<16xf32>
        %get3A_272 = arith.constant 2 : i32
        %get3A_273 = arith.index_cast %get3A_272 : i32 to index
        %get3A_274 = arith.index_cast %scan3A_254 : i32 to index
        %get3A_275 = arith.constant 32 : index
        %get3A_276 = tpu.vector_load %arg6[%get3A_273, %get3A_274, %get3A_275] {strides = array<i32>} : memref<4x100x128xf32, #tpu.memory_space<vmem>>, vector<1x1x16xf32>,
        %get3A_277 = vector.shape_cast %get3A_276 : vector<1x1x16xf32> to vector<16xf32>
        %add3A_278 = arith.addf %scan3A_257, %get3A_277 : vector<16xf32>
        %get3A_279 = arith.constant 2 : i32
        %get3A_280 = arith.index_cast %get3A_279 : i32 to index
        %get3A_281 = arith.index_cast %scan3A_254 : i32 to index
        %get3A_282 = arith.constant 48 : index
        %get3A_283 = tpu.vector_load %arg6[%get3A_280, %get3A_281, %get3A_282] {strides = array<i32>} : memref<4x100x128xf32, #tpu.memory_space<vmem>>, vector<1x1x16xf32>,
        %get3A_284 = vector.shape_cast %get3A_283 : vector<1x1x16xf32> to vector<16xf32>
        %add3A_285 = arith.addf %scan3A_258, %get3A_284 : vector<16xf32>
        %scan3A_286 = arith.constant 1 : i32
        %scan3A_287 = arith.addi %scan3A_254, %scan3A_286 : i32
        %get3A_288 = arith.constant 2 : i32
        %get3A_289 = arith.index_cast %get3A_288 : i32 to index
        %get3A_290 = arith.index_cast %scan3A_287 : i32 to index
        %get3A_291 = arith.constant 0 : index
        %get3A_292 = tpu.vector_load %arg6[%get3A_289, %get3A_290, %get3A_291] {strides = array<i32>} : memref<4x100x128xf32, #tpu.memory_space<vmem>>, vector<1x1x16xf32>,
        %get3A_293 = vector.shape_cast %get3A_292 : vector<1x1x16xf32> to vector<16xf32>
        %add3A_294 = arith.addf %add3A_264, %get3A_293 : vector<16xf32>
        %get3A_295 = arith.constant 2 : i32
        %get3A_296 = arith.index_cast %get3A_295 : i32 to index
        %get3A_297 = arith.index_cast %scan3A_287 : i32 to index
        %get3A_298 = arith.constant 16 : index
        %get3A_299 = tpu.vector_load %arg6[%get3A_296, %get3A_297, %get3A_298] {strides = array<i32>} : memref<4x100x128xf32, #tpu.memory_space<vmem>>, vector<1x1x16xf32>,
        %get3A_300 = vector.shape_cast %get3A_299 : vector<1x1x16xf32> to vector<16xf32>
        %add3A_301 = arith.addf %add3A_271, %get3A_300 : vector<16xf32>
        %get3A_302 = arith.constant 2 : i32
        %get3A_303 = arith.index_cast %get3A_302 : i32 to index
        %get3A_304 = arith.index_cast %scan3A_287 : i32 to index
        %get3A_305 = arith.constant 32 : index
        %get3A_306 = tpu.vector_load %arg6[%get3A_303, %get3A_304, %get3A_305] {strides = array<i32>} : memref<4x100x128xf32, #tpu.memory_space<vmem>>, vector<1x1x16xf32>,
        %get3A_307 = vector.shape_cast %get3A_306 : vector<1x1x16xf32> to vector<16xf32>
        %add3A_308 = arith.addf %add3A_278, %get3A_307 : vector<16xf32>
        %get3A_309 = arith.constant 2 : i32
        %get3A_310 = arith.index_cast %get3A_309 : i32 to index
        %get3A_311 = arith.index_cast %scan3A_287 : i32 to index
        %get3A_312 = arith.constant 48 : index
        %get3A_313 = tpu.vector_load %arg6[%get3A_310, %get3A_311, %get3A_312] {strides = array<i32>} : memref<4x100x128xf32, #tpu.memory_space<vmem>>, vector<1x1x16xf32>,
        %get3A_314 = vector.shape_cast %get3A_313 : vector<1x1x16xf32> to vector<16xf32>
        %add3A_315 = arith.addf %add3A_285, %get3A_314 : vector<16xf32>
        %scan3A_316 = arith.constant 2 : i32
        %scan3A_317 = arith.addi %scan3A_254, %scan3A_316 : i32
        %get3A_318 = arith.constant 2 : i32
        %get3A_319 = arith.index_cast %get3A_318 : i32 to index
        %get3A_320 = arith.index_cast %scan3A_317 : i32 to index
        %get3A_321 = arith.constant 0 : index
        %get3A_322 = tpu.vector_load %arg6[%get3A_319, %get3A_320, %get3A_321] {strides = array<i32>} : memref<4x100x128xf32, #tpu.memory_space<vmem>>, vector<1x1x16xf32>,
        %get3A_323 = vector.shape_cast %get3A_322 : vector<1x1x16xf32> to vector<16xf32>
        %add3A_324 = arith.addf %add3A_294, %get3A_323 : vector<16xf32>
        %get3A_325 = arith.constant 2 : i32
        %get3A_326 = arith.index_cast %get3A_325 : i32 to index
        %get3A_327 = arith.index_cast %scan3A_317 : i32 to index
        %get3A_328 = arith.constant 16 : index
        %get3A_329 = tpu.vector_load %arg6[%get3A_326, %get3A_327, %get3A_328] {strides = array<i32>} : memref<4x100x128xf32, #tpu.memory_space<vmem>>, vector<1x1x16xf32>,
        %get3A_330 = vector.shape_cast %get3A_329 : vector<1x1x16xf32> to vector<16xf32>
        %add3A_331 = arith.addf %add3A_301, %get3A_330 : vector<16xf32>
        %get3A_332 = arith.constant 2 : i32
        %get3A_333 = arith.index_cast %get3A_332 : i32 to index
        %get3A_334 = arith.index_cast %scan3A_317 : i32 to index
        %get3A_335 = arith.constant 32 : index
        %get3A_336 = tpu.vector_load %arg6[%get3A_333, %get3A_334, %get3A_335] {strides = array<i32>} : memref<4x100x128xf32, #tpu.memory_space<vmem>>, vector<1x1x16xf32>,
        %get3A_337 = vector.shape_cast %get3A_336 : vector<1x1x16xf32> to vector<16xf32>
        %add3A_338 = arith.addf %add3A_308, %get3A_337 : vector<16xf32>
        %get3A_339 = arith.constant 2 : i32
        %get3A_340 = arith.index_cast %get3A_339 : i32 to index
        %get3A_341 = arith.index_cast %scan3A_317 : i32 to index
        %get3A_342 = arith.constant 48 : index
        %get3A_343 = tpu.vector_load %arg6[%get3A_340, %get3A_341, %get3A_342] {strides = array<i32>} : memref<4x100x128xf32, #tpu.memory_space<vmem>>, vector<1x1x16xf32>,
        %get3A_344 = vector.shape_cast %get3A_343 : vector<1x1x16xf32> to vector<16xf32>
        %add3A_345 = arith.addf %add3A_315, %get3A_344 : vector<16xf32>
        %scan3A_346 = arith.constant 3 : i32
        %scan3A_347 = arith.addi %scan3A_254, %scan3A_346 : i32
        %get3A_348 = arith.constant 2 : i32
        %get3A_349 = arith.index_cast %get3A_348 : i32 to index
        %get3A_350 = arith.index_cast %scan3A_347 : i32 to index
        %get3A_351 = arith.constant 0 : index
        %get3A_352 = tpu.vector_load %arg6[%get3A_349, %get3A_350, %get3A_351] {strides = array<i32>} : memref<4x100x128xf32, #tpu.memory_space<vmem>>, vector<1x1x16xf32>,
        %get3A_353 = vector.shape_cast %get3A_352 : vector<1x1x16xf32> to vector<16xf32>
        %add3A_354 = arith.addf %add3A_324, %get3A_353 : vector<16xf32>
        %get3A_355 = arith.constant 2 : i32
        %get3A_356 = arith.index_cast %get3A_355 : i32 to index
        %get3A_357 = arith.index_cast %scan3A_347 : i32 to index
        %get3A_358 = arith.constant 16 : index
        %get3A_359 = tpu.vector_load %arg6[%get3A_356, %get3A_357, %get3A_358] {strides = array<i32>} : memref<4x100x128xf32, #tpu.memory_space<vmem>>, vector<1x1x16xf32>,
        %get3A_360 = vector.shape_cast %get3A_359 : vector<1x1x16xf32> to vector<16xf32>
        %add3A_361 = arith.addf %add3A_331, %get3A_360 : vector<16xf32>
        %get3A_362 = arith.constant 2 : i32
        %get3A_363 = arith.index_cast %get3A_362 : i32 to index
        %get3A_364 = arith.index_cast %scan3A_347 : i32 to index
        %get3A_365 = arith.constant 32 : index
        %get3A_366 = tpu.vector_load %arg6[%get3A_363, %get3A_364, %get3A_365] {strides = array<i32>} : memref<4x100x128xf32, #tpu.memory_space<vmem>>, vector<1x1x16xf32>,
        %get3A_367 = vector.shape_cast %get3A_366 : vector<1x1x16xf32> to vector<16xf32>
        %add3A_368 = arith.addf %add3A_338, %get3A_367 : vector<16xf32>
        %get3A_369 = arith.constant 2 : i32
        %get3A_370 = arith.index_cast %get3A_369 : i32 to index
        %get3A_371 = arith.index_cast %scan3A_347 : i32 to index
        %get3A_372 = arith.constant 48 : index
        %get3A_373 = tpu.vector_load %arg6[%get3A_370, %get3A_371, %get3A_372] {strides = array<i32>} : memref<4x100x128xf32, #tpu.memory_space<vmem>>, vector<1x1x16xf32>,
        %get3A_374 = vector.shape_cast %get3A_373 : vector<1x1x16xf32> to vector<16xf32>
        %add3A_375 = arith.addf %add3A_345, %get3A_374 : vector<16xf32>
        scf.yield %add3A_354, %add3A_361, %add3A_368, %add3A_375 : vector<16xf32>, vector<16xf32>, vector<16xf32>, vector<16xf32>
      }
      %scan3A_181 = arith.constant 100 : i32
      %add3A_182 = arith.constant 1 : i32
      %add3A_183 = arith.addi %scan3A_55, %add3A_182 : i32
      %mul3A_184 = arith.constant 4 : i32
      %mul3A_185 = arith.muli %add3A_183, %mul3A_184 : i32
      %add3A_186 = arith.constant 2 : i32
      %add3A_187 = arith.addi %mul3A_185, %add3A_186 : i32
      %lt3A_188 = arith.constant 256 : i32
      %lt3A_189 = arith.cmpi slt, %add3A_187, %lt3A_188 : i32
      %convert_element_type3A_190 = arith.extui %lt3A_189 : i1 to i32
      %cond3A_191 = arith.constant 0 : i32
      %cond3A_192 = arith.cmpi ne, %convert_element_type3A_190, %cond3A_191 : i32
      scf.if %cond3A_192 {
        %dma_start3A_254 = arith.constant 2 : i32
        %dma_start3A_255 = arith.constant 0 : i32
        %dma_start3A_256 = arith.constant 0 : i32
        %dma_start3A_257 = tpu.memref_slice %arg6[%dma_start3A_254, %dma_start3A_255, %dma_start3A_256] : memref<4x100x128xf32, #tpu.memory_space<vmem>> -> memref<1x100x128xf32, #tpu.memory_space<vmem>>
        %dma_start3A_258 = tpu.memref_squeeze %dma_start3A_257 : memref<1x100x128xf32, #tpu.memory_space<vmem>> -> memref<100x128xf32, #tpu.memory_space<vmem>>
        %dma_start3A_259 = arith.constant 0 : i32
        %dma_start3A_260 = tpu.memref_slice %arg5[%add3A_187, %dma_start3A_259] : memref<256x128xi32, #tpu.memory_space<vmem>> -> memref<1x100xi32, #tpu.memory_space<vmem>>
        %dma_start3A_261 = tpu.memref_squeeze %dma_start3A_260 : memref<1x100xi32, #tpu.memory_space<vmem>> -> memref<100xi32, #tpu.memory_space<vmem>>
        %dma_start3A_262 = arith.constant 0 : i32
        %dma_start3A_263 = arith.constant 0 : i32
        %dma_start3A_264 = tpu.memref_slice %arg3[%dma_start3A_262, %dma_start3A_263] : memref<1000000x128xf32, #tpu.memory_space<hbm>> -> memref<1000000x128xf32, #tpu.memory_space<hbm>>
        tpu.enqueue_indirect_dma source(%dma_start3A_264 : memref<1000000x128xf32, #tpu.memory_space<hbm>>) target(%dma_start3A_258 : memref<100x128xf32, #tpu.memory_space<vmem>>) offsets(%dma_start3A_261 : memref<100xi32, #tpu.memory_space<vmem>>) semaphore(%arg10 : memref<!tpu.dma_semaphore, #tpu.memory_space<semaphore_mem>>)
      } else {
      }
      %dma_wait3A_193 = arith.constant 0 : i32
      %dma_wait3A_194 = arith.constant 3 : i32
      %dma_wait3A_195 = arith.constant 0 : i32
      %dma_wait3A_196 = arith.constant 0 : i32
      %dma_wait3A_197 = tpu.memref_slice %arg6[%dma_wait3A_194, %dma_wait3A_195, %dma_wait3A_196] : memref<4x100x128xf32, #tpu.memory_space<vmem>> -> memref<1x100x128xf32, #tpu.memory_space<vmem>>
      %dma_wait3A_198 = tpu.memref_squeeze %dma_wait3A_197 : memref<1x100x128xf32, #tpu.memory_space<vmem>> -> memref<100x128xf32, #tpu.memory_space<vmem>>
      %dma_wait3A_199 = arith.constant 0 : i32
      %dma_wait3A_200 = tpu.memref_slice %arg5[%dma_wait3A_193, %dma_wait3A_199] : memref<256x128xi32, #tpu.memory_space<vmem>> -> memref<1x100xi32, #tpu.memory_space<vmem>>
      %dma_wait3A_201 = tpu.memref_squeeze %dma_wait3A_200 : memref<1x100xi32, #tpu.memory_space<vmem>> -> memref<100xi32, #tpu.memory_space<vmem>>
      %dma_wait3A_202 = arith.constant 0 : i32
      %dma_wait3A_203 = arith.constant 0 : i32
      %dma_wait3A_204 = tpu.memref_slice %arg3[%dma_wait3A_202, %dma_wait3A_203] : memref<1000000x128xf32, #tpu.memory_space<hbm>> -> memref<1000000x128xf32, #tpu.memory_space<hbm>>
      tpu.wait_indirect_dma semaphore(%arg11 : memref<!tpu.dma_semaphore, #tpu.memory_space<semaphore_mem>>) src(%dma_wait3A_204 : memref<1000000x128xf32, #tpu.memory_space<hbm>>) dst(%dma_wait3A_198 : memref<100x128xf32, #tpu.memory_space<vmem>>)
      %scan3A_205 = arith.constant 0 : i32
      %scan3A_206 = arith.constant 100 : i32
      %scan3A_207 = arith.addi %scan3A_205, %scan3A_206 : i32
      %scan3A_208 = arith.constant 4 : i32
      %scan3A_209:4 = scf.for %scan3A_254 = %scan3A_205 to %scan3A_207 step %scan3A_208 iter_args(%scan3A_255 = %scan3A_180#0, %scan3A_256 = %scan3A_180#1, %scan3A_257 = %scan3A_180#2, %scan3A_258 = %scan3A_180#3) -> (vector<16xf32>, vector<16xf32>, vector<16xf32>, vector<16xf32>)  : i32 {
        %get3A = arith.constant 3 : i32
        %get3A_259 = arith.index_cast %get3A : i32 to index
        %get3A_260 = arith.index_cast %scan3A_254 : i32 to index
        %get3A_261 = arith.constant 0 : index
        %get3A_262 = tpu.vector_load %arg6[%get3A_259, %get3A_260, %get3A_261] {strides = array<i32>} : memref<4x100x128xf32, #tpu.memory_space<vmem>>, vector<1x1x16xf32>,
        %get3A_263 = vector.shape_cast %get3A_262 : vector<1x1x16xf32> to vector<16xf32>
        %add3A_264 = arith.addf %scan3A_255, %get3A_263 : vector<16xf32>
        %get3A_265 = arith.constant 3 : i32
        %get3A_266 = arith.index_cast %get3A_265 : i32 to index
        %get3A_267 = arith.index_cast %scan3A_254 : i32 to index
        %get3A_268 = arith.constant 16 : index
        %get3A_269 = tpu.vector_load %arg6[%get3A_266, %get3A_267, %get3A_268] {strides = array<i32>} : memref<4x100x128xf32, #tpu.memory_space<vmem>>, vector<1x1x16xf32>,
        %get3A_270 = vector.shape_cast %get3A_269 : vector<1x1x16xf32> to vector<16xf32>
        %add3A_271 = arith.addf %scan3A_256, %get3A_270 : vector<16xf32>
        %get3A_272 = arith.constant 3 : i32
        %get3A_273 = arith.index_cast %get3A_272 : i32 to index
        %get3A_274 = arith.index_cast %scan3A_254 : i32 to index
        %get3A_275 = arith.constant 32 : index
        %get3A_276 = tpu.vector_load %arg6[%get3A_273, %get3A_274, %get3A_275] {strides = array<i32>} : memref<4x100x128xf32, #tpu.memory_space<vmem>>, vector<1x1x16xf32>,
        %get3A_277 = vector.shape_cast %get3A_276 : vector<1x1x16xf32> to vector<16xf32>
        %add3A_278 = arith.addf %scan3A_257, %get3A_277 : vector<16xf32>
        %get3A_279 = arith.constant 3 : i32
        %get3A_280 = arith.index_cast %get3A_279 : i32 to index
        %get3A_281 = arith.index_cast %scan3A_254 : i32 to index
        %get3A_282 = arith.constant 48 : index
        %get3A_283 = tpu.vector_load %arg6[%get3A_280, %get3A_281, %get3A_282] {strides = array<i32>} : memref<4x100x128xf32, #tpu.memory_space<vmem>>, vector<1x1x16xf32>,
        %get3A_284 = vector.shape_cast %get3A_283 : vector<1x1x16xf32> to vector<16xf32>
        %add3A_285 = arith.addf %scan3A_258, %get3A_284 : vector<16xf32>
        %scan3A_286 = arith.constant 1 : i32
        %scan3A_287 = arith.addi %scan3A_254, %scan3A_286 : i32
        %get3A_288 = arith.constant 3 : i32
        %get3A_289 = arith.index_cast %get3A_288 : i32 to index
        %get3A_290 = arith.index_cast %scan3A_287 : i32 to index
        %get3A_291 = arith.constant 0 : index
        %get3A_292 = tpu.vector_load %arg6[%get3A_289, %get3A_290, %get3A_291] {strides = array<i32>} : memref<4x100x128xf32, #tpu.memory_space<vmem>>, vector<1x1x16xf32>,
        %get3A_293 = vector.shape_cast %get3A_292 : vector<1x1x16xf32> to vector<16xf32>
        %add3A_294 = arith.addf %add3A_264, %get3A_293 : vector<16xf32>
        %get3A_295 = arith.constant 3 : i32
        %get3A_296 = arith.index_cast %get3A_295 : i32 to index
        %get3A_297 = arith.index_cast %scan3A_287 : i32 to index
        %get3A_298 = arith.constant 16 : index
        %get3A_299 = tpu.vector_load %arg6[%get3A_296, %get3A_297, %get3A_298] {strides = array<i32>} : memref<4x100x128xf32, #tpu.memory_space<vmem>>, vector<1x1x16xf32>,
        %get3A_300 = vector.shape_cast %get3A_299 : vector<1x1x16xf32> to vector<16xf32>
        %add3A_301 = arith.addf %add3A_271, %get3A_300 : vector<16xf32>
        %get3A_302 = arith.constant 3 : i32
        %get3A_303 = arith.index_cast %get3A_302 : i32 to index
        %get3A_304 = arith.index_cast %scan3A_287 : i32 to index
        %get3A_305 = arith.constant 32 : index
        %get3A_306 = tpu.vector_load %arg6[%get3A_303, %get3A_304, %get3A_305] {strides = array<i32>} : memref<4x100x128xf32, #tpu.memory_space<vmem>>, vector<1x1x16xf32>,
        %get3A_307 = vector.shape_cast %get3A_306 : vector<1x1x16xf32> to vector<16xf32>
        %add3A_308 = arith.addf %add3A_278, %get3A_307 : vector<16xf32>
        %get3A_309 = arith.constant 3 : i32
        %get3A_310 = arith.index_cast %get3A_309 : i32 to index
        %get3A_311 = arith.index_cast %scan3A_287 : i32 to index
        %get3A_312 = arith.constant 48 : index
        %get3A_313 = tpu.vector_load %arg6[%get3A_310, %get3A_311, %get3A_312] {strides = array<i32>} : memref<4x100x128xf32, #tpu.memory_space<vmem>>, vector<1x1x16xf32>,
        %get3A_314 = vector.shape_cast %get3A_313 : vector<1x1x16xf32> to vector<16xf32>
        %add3A_315 = arith.addf %add3A_285, %get3A_314 : vector<16xf32>
        %scan3A_316 = arith.constant 2 : i32
        %scan3A_317 = arith.addi %scan3A_254, %scan3A_316 : i32
        %get3A_318 = arith.constant 3 : i32
        %get3A_319 = arith.index_cast %get3A_318 : i32 to index
        %get3A_320 = arith.index_cast %scan3A_317 : i32 to index
        %get3A_321 = arith.constant 0 : index
        %get3A_322 = tpu.vector_load %arg6[%get3A_319, %get3A_320, %get3A_321] {strides = array<i32>} : memref<4x100x128xf32, #tpu.memory_space<vmem>>, vector<1x1x16xf32>,
        %get3A_323 = vector.shape_cast %get3A_322 : vector<1x1x16xf32> to vector<16xf32>
        %add3A_324 = arith.addf %add3A_294, %get3A_323 : vector<16xf32>
        %get3A_325 = arith.constant 3 : i32
        %get3A_326 = arith.index_cast %get3A_325 : i32 to index
        %get3A_327 = arith.index_cast %scan3A_317 : i32 to index
        %get3A_328 = arith.constant 16 : index
        %get3A_329 = tpu.vector_load %arg6[%get3A_326, %get3A_327, %get3A_328] {strides = array<i32>} : memref<4x100x128xf32, #tpu.memory_space<vmem>>, vector<1x1x16xf32>,
        %get3A_330 = vector.shape_cast %get3A_329 : vector<1x1x16xf32> to vector<16xf32>
        %add3A_331 = arith.addf %add3A_301, %get3A_330 : vector<16xf32>
        %get3A_332 = arith.constant 3 : i32
        %get3A_333 = arith.index_cast %get3A_332 : i32 to index
        %get3A_334 = arith.index_cast %scan3A_317 : i32 to index
        %get3A_335 = arith.constant 32 : index
        %get3A_336 = tpu.vector_load %arg6[%get3A_333, %get3A_334, %get3A_335] {strides = array<i32>} : memref<4x100x128xf32, #tpu.memory_space<vmem>>, vector<1x1x16xf32>,
        %get3A_337 = vector.shape_cast %get3A_336 : vector<1x1x16xf32> to vector<16xf32>
        %add3A_338 = arith.addf %add3A_308, %get3A_337 : vector<16xf32>
        %get3A_339 = arith.constant 3 : i32
        %get3A_340 = arith.index_cast %get3A_339 : i32 to index
        %get3A_341 = arith.index_cast %scan3A_317 : i32 to index
        %get3A_342 = arith.constant 48 : index
        %get3A_343 = tpu.vector_load %arg6[%get3A_340, %get3A_341, %get3A_342] {strides = array<i32>} : memref<4x100x128xf32, #tpu.memory_space<vmem>>, vector<1x1x16xf32>,
        %get3A_344 = vector.shape_cast %get3A_343 : vector<1x1x16xf32> to vector<16xf32>
        %add3A_345 = arith.addf %add3A_315, %get3A_344 : vector<16xf32>
        %scan3A_346 = arith.constant 3 : i32
        %scan3A_347 = arith.addi %scan3A_254, %scan3A_346 : i32
        %get3A_348 = arith.constant 3 : i32
        %get3A_349 = arith.index_cast %get3A_348 : i32 to index
        %get3A_350 = arith.index_cast %scan3A_347 : i32 to index
        %get3A_351 = arith.constant 0 : index
        %get3A_352 = tpu.vector_load %arg6[%get3A_349, %get3A_350, %get3A_351] {strides = array<i32>} : memref<4x100x128xf32, #tpu.memory_space<vmem>>, vector<1x1x16xf32>,
        %get3A_353 = vector.shape_cast %get3A_352 : vector<1x1x16xf32> to vector<16xf32>
        %add3A_354 = arith.addf %add3A_324, %get3A_353 : vector<16xf32>
        %get3A_355 = arith.constant 3 : i32
        %get3A_356 = arith.index_cast %get3A_355 : i32 to index
        %get3A_357 = arith.index_cast %scan3A_347 : i32 to index
        %get3A_358 = arith.constant 16 : index
        %get3A_359 = tpu.vector_load %arg6[%get3A_356, %get3A_357, %get3A_358] {strides = array<i32>} : memref<4x100x128xf32, #tpu.memory_space<vmem>>, vector<1x1x16xf32>,
        %get3A_360 = vector.shape_cast %get3A_359 : vector<1x1x16xf32> to vector<16xf32>
        %add3A_361 = arith.addf %add3A_331, %get3A_360 : vector<16xf32>
        %get3A_362 = arith.constant 3 : i32
        %get3A_363 = arith.index_cast %get3A_362 : i32 to index
        %get3A_364 = arith.index_cast %scan3A_347 : i32 to index
        %get3A_365 = arith.constant 32 : index
        %get3A_366 = tpu.vector_load %arg6[%get3A_363, %get3A_364, %get3A_365] {strides = array<i32>} : memref<4x100x128xf32, #tpu.memory_space<vmem>>, vector<1x1x16xf32>,
        %get3A_367 = vector.shape_cast %get3A_366 : vector<1x1x16xf32> to vector<16xf32>
        %add3A_368 = arith.addf %add3A_338, %get3A_367 : vector<16xf32>
        %get3A_369 = arith.constant 3 : i32
        %get3A_370 = arith.index_cast %get3A_369 : i32 to index
        %get3A_371 = arith.index_cast %scan3A_347 : i32 to index
        %get3A_372 = arith.constant 48 : index
        %get3A_373 = tpu.vector_load %arg6[%get3A_370, %get3A_371, %get3A_372] {strides = array<i32>} : memref<4x100x128xf32, #tpu.memory_space<vmem>>, vector<1x1x16xf32>,
        %get3A_374 = vector.shape_cast %get3A_373 : vector<1x1x16xf32> to vector<16xf32>
        %add3A_375 = arith.addf %add3A_345, %get3A_374 : vector<16xf32>
        scf.yield %add3A_354, %add3A_361, %add3A_368, %add3A_375 : vector<16xf32>, vector<16xf32>, vector<16xf32>, vector<16xf32>
      }
      %scan3A_210 = arith.constant 100 : i32
      %add3A_211 = arith.constant 1 : i32
      %add3A_212 = arith.addi %scan3A_55, %add3A_211 : i32
      %mul3A_213 = arith.constant 4 : i32
      %mul3A_214 = arith.muli %add3A_212, %mul3A_213 : i32
      %add3A_215 = arith.constant 3 : i32
      %add3A_216 = arith.addi %mul3A_214, %add3A_215 : i32
      %lt3A_217 = arith.constant 256 : i32
      %lt3A_218 = arith.cmpi slt, %add3A_216, %lt3A_217 : i32
      %convert_element_type3A_219 = arith.extui %lt3A_218 : i1 to i32
      %cond3A_220 = arith.constant 0 : i32
      %cond3A_221 = arith.cmpi ne, %convert_element_type3A_219, %cond3A_220 : i32
      scf.if %cond3A_221 {
        %dma_start3A_254 = arith.constant 3 : i32
        %dma_start3A_255 = arith.constant 0 : i32
        %dma_start3A_256 = arith.constant 0 : i32
        %dma_start3A_257 = tpu.memref_slice %arg6[%dma_start3A_254, %dma_start3A_255, %dma_start3A_256] : memref<4x100x128xf32, #tpu.memory_space<vmem>> -> memref<1x100x128xf32, #tpu.memory_space<vmem>>
        %dma_start3A_258 = tpu.memref_squeeze %dma_start3A_257 : memref<1x100x128xf32, #tpu.memory_space<vmem>> -> memref<100x128xf32, #tpu.memory_space<vmem>>
        %dma_start3A_259 = arith.constant 0 : i32
        %dma_start3A_260 = tpu.memref_slice %arg5[%add3A_216, %dma_start3A_259] : memref<256x128xi32, #tpu.memory_space<vmem>> -> memref<1x100xi32, #tpu.memory_space<vmem>>
        %dma_start3A_261 = tpu.memref_squeeze %dma_start3A_260 : memref<1x100xi32, #tpu.memory_space<vmem>> -> memref<100xi32, #tpu.memory_space<vmem>>
        %dma_start3A_262 = arith.constant 0 : i32
        %dma_start3A_263 = arith.constant 0 : i32
        %dma_start3A_264 = tpu.memref_slice %arg3[%dma_start3A_262, %dma_start3A_263] : memref<1000000x128xf32, #tpu.memory_space<hbm>> -> memref<1000000x128xf32, #tpu.memory_space<hbm>>
        tpu.enqueue_indirect_dma source(%dma_start3A_264 : memref<1000000x128xf32, #tpu.memory_space<hbm>>) target(%dma_start3A_258 : memref<100x128xf32, #tpu.memory_space<vmem>>) offsets(%dma_start3A_261 : memref<100xi32, #tpu.memory_space<vmem>>) semaphore(%arg11 : memref<!tpu.dma_semaphore, #tpu.memory_space<semaphore_mem>>)
      } else {
      }
      %mul3A_222 = arith.constant 5.000000e-03 : f32
      %mul3A_223 = vector.broadcast %mul3A_222 : f32 to vector<16xf32>
      %mul3A_224 = arith.mulf %scan3A_209#0, %mul3A_223 : vector<16xf32>
      %swap3A_225 = arith.index_cast %add3A_155 : i32 to index
      %swap3A_226 = arith.constant 0 : index
      %swap3A_227 = tpu.vector_load %arg7[%swap3A_225, %swap3A_226] {strides = array<i32>} : memref<128x64xf32, #tpu.memory_space<vmem>>, vector<1x16xf32>,
      %swap3A_228 = vector.shape_cast %swap3A_227 : vector<1x16xf32> to vector<16xf32>
      %swap3A_229 = vector.shape_cast %mul3A_224 : vector<16xf32> to vector<1x16xf32>
      tpu.vector_store %arg7[%swap3A_225, %swap3A_226], %swap3A_229 {strides = array<i32>} : memref<128x64xf32, #tpu.memory_space<vmem>>, vector<1x16xf32>,
      %mul3A_230 = arith.constant 5.000000e-03 : f32
      %mul3A_231 = vector.broadcast %mul3A_230 : f32 to vector<16xf32>
      %mul3A_232 = arith.mulf %scan3A_209#1, %mul3A_231 : vector<16xf32>
      %swap3A_233 = arith.index_cast %add3A_155 : i32 to index
      %swap3A_234 = arith.constant 16 : index
      %swap3A_235 = tpu.vector_load %arg7[%swap3A_233, %swap3A_234] {strides = array<i32>} : memref<128x64xf32, #tpu.memory_space<vmem>>, vector<1x16xf32>,
      %swap3A_236 = vector.shape_cast %swap3A_235 : vector<1x16xf32> to vector<16xf32>
      %swap3A_237 = vector.shape_cast %mul3A_232 : vector<16xf32> to vector<1x16xf32>
      tpu.vector_store %arg7[%swap3A_233, %swap3A_234], %swap3A_237 {strides = array<i32>} : memref<128x64xf32, #tpu.memory_space<vmem>>, vector<1x16xf32>,
      %mul3A_238 = arith.constant 5.000000e-03 : f32
      %mul3A_239 = vector.broadcast %mul3A_238 : f32 to vector<16xf32>
      %mul3A_240 = arith.mulf %scan3A_209#2, %mul3A_239 : vector<16xf32>
      %swap3A_241 = arith.index_cast %add3A_155 : i32 to index
      %swap3A_242 = arith.constant 32 : index
      %swap3A_243 = tpu.vector_load %arg7[%swap3A_241, %swap3A_242] {strides = array<i32>} : memref<128x64xf32, #tpu.memory_space<vmem>>, vector<1x16xf32>,
      %swap3A_244 = vector.shape_cast %swap3A_243 : vector<1x16xf32> to vector<16xf32>
      %swap3A_245 = vector.shape_cast %mul3A_240 : vector<16xf32> to vector<1x16xf32>
      tpu.vector_store %arg7[%swap3A_241, %swap3A_242], %swap3A_245 {strides = array<i32>} : memref<128x64xf32, #tpu.memory_space<vmem>>, vector<1x16xf32>,
      %mul3A_246 = arith.constant 5.000000e-03 : f32
      %mul3A_247 = vector.broadcast %mul3A_246 : f32 to vector<16xf32>
      %mul3A_248 = arith.mulf %scan3A_209#3, %mul3A_247 : vector<16xf32>
      %swap3A_249 = arith.index_cast %add3A_155 : i32 to index
      %swap3A_250 = arith.constant 48 : index
      %swap3A_251 = tpu.vector_load %arg7[%swap3A_249, %swap3A_250] {strides = array<i32>} : memref<128x64xf32, #tpu.memory_space<vmem>>, vector<1x16xf32>,
      %swap3A_252 = vector.shape_cast %swap3A_251 : vector<1x16xf32> to vector<16xf32>
      %swap3A_253 = vector.shape_cast %mul3A_248 : vector<16xf32> to vector<1x16xf32>
      tpu.vector_store %arg7[%swap3A_249, %swap3A_250], %swap3A_253 {strides = array<i32>} : memref<128x64xf32, #tpu.memory_space<vmem>>, vector<1x16xf32>,
    }
    %scan3A_52 = arith.constant 64 : i32
    %mul3A_53 = arith.constant 128 : i32
    %mul3A_54 = arith.muli %add3A, %mul3A_53 : i32
    "tpu.region"() ({
      %run_scoped3A = tpu.sem_alloc : memref<!tpu.dma_semaphore, #tpu.memory_space<semaphore_mem>>
      %dma_start3A_55 = arith.constant 0 : i32
      %dma_start3A_56 = tpu.memref_slice %arg4[%mul3A_54, %dma_start3A_55] : memref<4096x64xf32, #tpu.memory_space<hbm>> -> memref<128x64xf32, #tpu.memory_space<hbm>>
      %dma_start3A_57 = arith.constant 0 : i32
      %dma_start3A_58 = tpu.memref_slice %arg4[%mul3A_54, %dma_start3A_57] : memref<4096x64xf32, #tpu.memory_space<hbm>> -> memref<128x64xf32, #tpu.memory_space<hbm>>
      tpu.enqueue_dma source(%arg7 : memref<128x64xf32, #tpu.memory_space<vmem>>) target(%dma_start3A_58 : memref<128x64xf32, #tpu.memory_space<hbm>>) target_semaphore(%run_scoped3A : memref<!tpu.dma_semaphore, #tpu.memory_space<semaphore_mem>>)
      %dma_wait3A = arith.constant 0 : i32
      %dma_wait3A_59 = tpu.memref_slice %arg4[%mul3A_54, %dma_wait3A] : memref<4096x64xf32, #tpu.memory_space<hbm>> -> memref<128x64xf32, #tpu.memory_space<hbm>>
      %dma_wait3A_60 = arith.constant 0 : i32
      %dma_wait3A_61 = tpu.memref_slice %arg4[%mul3A_54, %dma_wait3A_60] : memref<4096x64xf32, #tpu.memory_space<hbm>> -> memref<128x64xf32, #tpu.memory_space<hbm>>
      tpu.wait_dma2 semaphore(%run_scoped3A : memref<!tpu.dma_semaphore, #tpu.memory_space<semaphore_mem>>) src(%arg7 : memref<128x64xf32, #tpu.memory_space<vmem>>) dst(%dma_wait3A_61 : memref<128x64xf32, #tpu.memory_space<hbm>>)
      tpu.yield
    }) : () -> ()
    return
  }
}

module attributes {stable_mosaic.version = 14 : i64} {
  func.func @_mlp_body(%arg0: i32, %arg1: memref<512x64xf32, #tpu.memory_space<vmem>>, %arg2: memref<64x300xf32, #tpu.memory_space<vmem>>, %arg3: memref<1x300xf32, #tpu.memory_space<vmem>>, %arg4: memref<300x300xf32, #tpu.memory_space<vmem>>, %arg5: memref<1x300xf32, #tpu.memory_space<vmem>>, %arg6: memref<300x2xf32, #tpu.memory_space<vmem>>, %arg7: memref<1x2xf32, #tpu.memory_space<vmem>>, %arg8: memref<512x2xf32, #tpu.memory_space<vmem>>) attributes {dimension_semantics = [#tpu.dimension_semantics<arbitrary>], iteration_bounds = array<i64: 8>, scalar_prefetch = 0 : i64, scratch_operands = 0 : i64, tpu.core_type = #tpu.core_type<tc>, window_params = [{transform_indices = @transform_0, window_bounds = array<i64: 512, 64>}, {pipeline_mode = #tpu.pipeline_mode<synchronous>, transform_indices = @transform_1, window_bounds = array<i64: 64, 300>}, {pipeline_mode = #tpu.pipeline_mode<synchronous>, transform_indices = @transform_2, window_bounds = array<i64: 1, 300>}, {pipeline_mode = #tpu.pipeline_mode<synchronous>, transform_indices = @transform_3, window_bounds = array<i64: 300, 300>}, {pipeline_mode = #tpu.pipeline_mode<synchronous>, transform_indices = @transform_4, window_bounds = array<i64: 1, 300>}, {pipeline_mode = #tpu.pipeline_mode<synchronous>, transform_indices = @transform_5, window_bounds = array<i64: 300, 2>}, {pipeline_mode = #tpu.pipeline_mode<synchronous>, transform_indices = @transform_6, window_bounds = array<i64: 1, 2>}, {transform_indices = @transform_7, window_bounds = array<i64: 512, 2>}]} {
    %get3A = arith.constant 0 : index
    %get3A_0 = arith.constant 0 : index
    %get3A_1 = vector.load %arg1[%get3A, %get3A_0] : memref<512x64xf32, #tpu.memory_space<vmem>>, vector<512x64xf32>
    %get3A_2 = arith.constant 0 : index
    %get3A_3 = arith.constant 0 : index
    %get3A_4 = vector.load %arg2[%get3A_2, %get3A_3] : memref<64x300xf32, #tpu.memory_space<vmem>>, vector<64x300xf32>
    %dot_general3A = arith.constant dense<0.000000e+00> : vector<512x300xf32>
    %dot_general3A_5 = tpu.matmul %get3A_1, %get3A_4, %dot_general3A {dimension_numbers = #tpu.dot_dimension_numbers<[1], [0], [0], [1], [0, 0, 1, 1], [], []>, transpose_lhs_hint = false} : vector<512x64xf32>, vector<64x300xf32>, vector<512x300xf32> -> vector<512x300xf32>
    %get3A_6 = arith.constant 0 : index
    %get3A_7 = arith.constant 0 : index
    %get3A_8 = vector.load %arg3[%get3A_6, %get3A_7] : memref<1x300xf32, #tpu.memory_space<vmem>>, vector<1x300xf32>
    %add3A = vector.broadcast %get3A_8 : vector<1x300xf32> to vector<512x300xf32>
    %add3A_9 = arith.addf %dot_general3A_5, %add3A : vector<512x300xf32>
    %max3A = arith.constant 0.000000e+00 : f32
    %max3A_10 = vector.broadcast %max3A : f32 to vector<512x300xf32>
    %max3A_11 = arith.maximumf %add3A_9, %max3A_10 : vector<512x300xf32>
    %get3A_12 = arith.constant 0 : index
    %get3A_13 = arith.constant 0 : index
    %get3A_14 = vector.load %arg4[%get3A_12, %get3A_13] : memref<300x300xf32, #tpu.memory_space<vmem>>, vector<300x300xf32>
    %dot_general3A_15 = arith.constant dense<0.000000e+00> : vector<512x300xf32>
    %dot_general3A_16 = tpu.matmul %max3A_11, %get3A_14, %dot_general3A_15 {dimension_numbers = #tpu.dot_dimension_numbers<[1], [0], [0], [1], [0, 0, 1, 1], [], []>, transpose_lhs_hint = false} : vector<512x300xf32>, vector<300x300xf32>, vector<512x300xf32> -> vector<512x300xf32>
    %get3A_17 = arith.constant 0 : index
    %get3A_18 = arith.constant 0 : index
    %get3A_19 = vector.load %arg5[%get3A_17, %get3A_18] : memref<1x300xf32, #tpu.memory_space<vmem>>, vector<1x300xf32>
    %add3A_20 = vector.broadcast %get3A_19 : vector<1x300xf32> to vector<512x300xf32>
    %add3A_21 = arith.addf %dot_general3A_16, %add3A_20 : vector<512x300xf32>
    %max3A_22 = arith.constant 0.000000e+00 : f32
    %max3A_23 = vector.broadcast %max3A_22 : f32 to vector<512x300xf32>
    %max3A_24 = arith.maximumf %add3A_21, %max3A_23 : vector<512x300xf32>
    %get3A_25 = arith.constant 0 : index
    %get3A_26 = arith.constant 0 : index
    %get3A_27 = vector.load %arg6[%get3A_25, %get3A_26] : memref<300x2xf32, #tpu.memory_space<vmem>>, vector<300x2xf32>
    %dot_general3A_28 = arith.constant dense<0.000000e+00> : vector<512x2xf32>
    %dot_general3A_29 = tpu.matmul %max3A_24, %get3A_27, %dot_general3A_28 {dimension_numbers = #tpu.dot_dimension_numbers<[1], [0], [0], [1], [0, 0, 1, 1], [], []>, transpose_lhs_hint = false} : vector<512x300xf32>, vector<300x2xf32>, vector<512x2xf32> -> vector<512x2xf32>
    %get3A_30 = arith.constant 0 : index
    %get3A_31 = arith.constant 0 : index
    %get3A_32 = vector.load %arg7[%get3A_30, %get3A_31] : memref<1x2xf32, #tpu.memory_space<vmem>>, vector<1x2xf32>
    %add3A_33 = vector.broadcast %get3A_32 : vector<1x2xf32> to vector<512x2xf32>
    %add3A_34 = arith.addf %dot_general3A_29, %add3A_33 : vector<512x2xf32>
    %reduce_max3A = arith.constant dense<0xFF800000> : vector<512xf32>
    %reduce_max3A_35 = vector.multi_reduction <maximumf>, %add3A_34, %reduce_max3A [1] : vector<512x2xf32> to vector<512xf32>
    %broadcast_in_dim3A = vector.shape_cast %reduce_max3A_35 : vector<512xf32> to vector<512x1xf32>
    %sub3A = vector.broadcast %broadcast_in_dim3A : vector<512x1xf32> to vector<512x2xf32>
    %sub3A_36 = arith.subf %add3A_34, %sub3A : vector<512x2xf32>
    %exp3A = math.exp %sub3A_36 : vector<512x2xf32>
    %reduce_sum3A = arith.constant dense<0.000000e+00> : vector<512xf32>
    %reduce_sum3A_37 = vector.multi_reduction <add>, %exp3A, %reduce_sum3A [1] : vector<512x2xf32> to vector<512xf32>
    %broadcast_in_dim3A_38 = vector.shape_cast %reduce_sum3A_37 : vector<512xf32> to vector<512x1xf32>
    %log3A = math.log %broadcast_in_dim3A_38 : vector<512x1xf32>
    %add3A_39 = arith.addf %broadcast_in_dim3A, %log3A : vector<512x1xf32>
    %sub3A_40 = vector.broadcast %add3A_39 : vector<512x1xf32> to vector<512x2xf32>
    %sub3A_41 = arith.subf %add3A_34, %sub3A_40 : vector<512x2xf32>
    %swap3A = arith.constant 0 : index
    %swap3A_42 = arith.constant 0 : index
    %swap3A_43 = vector.load %arg8[%swap3A, %swap3A_42] : memref<512x2xf32, #tpu.memory_space<vmem>>, vector<512x2xf32>
    tpu.vector_store %arg8[%swap3A, %swap3A_42], %sub3A_41 {strides = array<i32>} : memref<512x2xf32, #tpu.memory_space<vmem>>, vector<512x2xf32>,
    return
  }
  func.func @transform_0(%arg0: i32) -> (i32, i32) {
    %c0_i32 = arith.constant 0 : i32
    %c0_i32_0 = arith.constant 0 : i32
    return %arg0, %c0_i32 : i32, i32
  }
  func.func @transform_1(%arg0: i32) -> (i32, i32) {
    %c0_i32 = arith.constant 0 : i32
    %c0_i32_0 = arith.constant 0 : i32
    %c0_i32_1 = arith.constant 0 : i32
    return %c0_i32, %c0_i32_0 : i32, i32
  }
  func.func @transform_2(%arg0: i32) -> (i32, i32) {
    %c0_i32 = arith.constant 0 : i32
    %c0_i32_0 = arith.constant 0 : i32
    %c0_i32_1 = arith.constant 0 : i32
    return %c0_i32, %c0_i32_0 : i32, i32
  }
  func.func @transform_3(%arg0: i32) -> (i32, i32) {
    %c0_i32 = arith.constant 0 : i32
    %c0_i32_0 = arith.constant 0 : i32
    %c0_i32_1 = arith.constant 0 : i32
    return %c0_i32, %c0_i32_0 : i32, i32
  }
  func.func @transform_4(%arg0: i32) -> (i32, i32) {
    %c0_i32 = arith.constant 0 : i32
    %c0_i32_0 = arith.constant 0 : i32
    %c0_i32_1 = arith.constant 0 : i32
    return %c0_i32, %c0_i32_0 : i32, i32
  }
  func.func @transform_5(%arg0: i32) -> (i32, i32) {
    %c0_i32 = arith.constant 0 : i32
    %c0_i32_0 = arith.constant 0 : i32
    %c0_i32_1 = arith.constant 0 : i32
    return %c0_i32, %c0_i32_0 : i32, i32
  }
  func.func @transform_6(%arg0: i32) -> (i32, i32) {
    %c0_i32 = arith.constant 0 : i32
    %c0_i32_0 = arith.constant 0 : i32
    %c0_i32_1 = arith.constant 0 : i32
    return %c0_i32, %c0_i32_0 : i32, i32
  }
  func.func @transform_7(%arg0: i32) -> (i32, i32) {
    %c0_i32 = arith.constant 0 : i32
    %c0_i32_0 = arith.constant 0 : i32
    return %arg0, %c0_i32 : i32, i32
  }
}

</mosaic_0001>

<sc_bundles>
// kernel: kernel.4.cloned.1.call-start
scs
__scs_entry_jumppad:
0x0: {  	(pc) =	sbr.rel $0x88, $3  }
0x1: {  	(tag) =	ssettag $0x0;
	lr =	simm.s32 $0x1  }
0x2: {  	[smem:$0x3F99] =	sst lr;
	_ =	strace $0xD0000000  }
0x3: {  	_ = 	snop  }
0x4: {  	_ = 	snop  }
0x5: {  	_ = 	snop  }
0x6: {  	_ = 	snop  }
0x7: {  	_ = 	snop  }
__scs_overlays_trampoline_lowered:
0x8: {  	[smem:$0x3FA8] =	sst s0  }
0x9: {  	[smem:$0x3FA9] =	sst s1  }
0xa: {  	[smem:$0x3FAA] =	sst s2  }
0xb: {  	[smem:$0x3FAB] =	sst s3  }
0xc: {  	[smem:$0x3FAC] =	sst s4  }
0xd: {  	[smem:$0x3FAD] =	sst s5  }
0xe: {  	[smem:$0x3FAE] =	sst s6  }
0xf: {  	[smem:$0x3FAF] =	sst s7  }
0x10: {  	[smem:$0x3FB0] =	sst s8  }
0x11: {  	[smem:$0x3FB1] =	sst s9;
	s0 =	simm.s32 @!p0 $0x0  }
0x12: {  	s1 =	sld [smem:$0x3F97];
	s0 =	simm.s32 @p0 $0x1  }
0x13: {  	[smem:$0x3FB2] =	sst s0;
	s0 =	simm.s32 @!p1 $0x0  }
0x14: {  	s2 =	sld [smem:$0x3F96];
	s0 =	simm.s32 @p1 $0x1  }
0x15: {  	[smem:$0x3FB3] =	sst s0;
	s0 =	simm.s32 @!p2 $0x0  }
0x16: {  	s3 =	sld [smem:$0x3FDB];
	s0 =	simm.s32 @p2 $0x1  }
0x17: {  	s4 =	simm.s32 $0x1BF5;
	[smem:$0x3FB5] =	sst s0  }
0x18: {  	s0 =	sld [smem:$0x3F98];
	_ =	swait.ge [sflag:s4], $0x0  }
0x19: {  	s7 =	sld [smem:$0x3F99]  }
0x1a: {  	s8 =	sadd.s32 $0xFFFFE003, lr  }
0x1b: {  	s9 =	sadd.s32 $0xFFFFFEF7, lr;
	s5 =	simm.s32 $0xFFFFFFFF;
	p2 =	slt.u32 s8, $0xFFFFF086  }
0x1c: {  	p1 =	slt.u32 s9, $0xF7A;
	s5 =	simm.s32 @!p2 $0x0  }
0x1d: {  	s5 =	simm.s32 @p1 $0x1;
	p0 =	seq.s32 s7, s2  }
0x1e: {  	s7 =	smul.u32 @!p0 $0xF7A, s2;
	p2 =	seq.s32 @!p0 s5, $0x0  }
0x1f: {  	s9 =	smul.u32 $0xF7A, s1;
	s8 =	simm.s32 @!p0 $0x1BF5;
	p2 =	por !p2, p0  }
0x20: {  	[sflag:s8] =	ssyncset.s32 @!p0 $0xFFFFF086;
	s6 =	sadd.s32 @!p0 s3, s7;
	s7 =	simm.s32 @!p0 $0x108  }
0x21: {  	s3 =	sadd.s32 s3, s9;
	s6 =	sadd.s32 @!p0 $0x88, s6;
	s7 =	simm.s32 @p2 $0x1082  }
0x22: {  	[simem:s7], [sflag:s8] =	dma.local @!p0 [hbm:s6], $0xF7A  }
0x23: {  	s9 =	sor.u32 $0xD0000000, s2;
	s6 =	simm.s32 $0x108;
	_ =	swait.ge @!p0 [sflag:s8], $0x0  }
0x24: {  	s3 =	sadd.s32 $0x88, s3;
	s6 =	simm.s32 @!p1 $0x1082;
	[sflag:s4] =	ssyncset.s32 $0xFFFFF086  }
0x25: {  	[simem:s6], [sflag:s4] =	dma.local [hbm:s3], $0xF7A  }
0x26: {  	[smem:$0x3F99] =	sst s1;
	(tag) =	ssettag s2;
	_ =	strace s9  }
0x27: {  	s1 =	sld [smem:$0x3FA9]  }
0x28: {  	s2 =	sld [smem:$0x3FAA]  }
0x29: {  	s4 =	sld [smem:$0x3FAC]  }
0x2a: {  	p0 =	seq.s32 s5, $0x0;
	s5 =	sld [smem:$0x3FAD]  }
0x2b: {  	s6 =	sld [smem:$0x3FAE]  }
0x2c: {  	s7 =	sld [smem:$0x3FAF]  }
0x2d: {  	s3 =	simm.s32 $0x108;
	s8 =	sld [smem:$0x3FB0]  }
0x2e: {  	s3 =	simm.s32 @!p0 $0x1082;
	s9 =	sld [smem:$0x3FB1]  }
0x2f: {  	lr =	sadd.s32 s0, s3;
	s0 =	sld [smem:$0x3FA8]  }
0x30: {  	s3 =	sld [smem:$0x3FAB]  }
0x31: {  	[smem:$0x3FB4] =	sst s10  }
0x32: {  	s10 =	sld [smem:$0x3FB2];
	_ =	sdelay $0x3  }
0x33: {  	p0 =	seq.s32 s10, $0x1;
	s10 =	sld [smem:$0x3FB4];
	_ =	sdelay $0x3  }
0x34: {  	[smem:$0x3FB4] =	sst s10  }
0x35: {  	s10 =	sld [smem:$0x3FB3];
	_ =	sdelay $0x3  }
0x36: {  	p1 =	seq.s32 s10, $0x1;
	s10 =	sld [smem:$0x3FB4];
	_ =	sdelay $0x3  }
0x37: {  	[smem:$0x3FB4] =	sst s10  }
0x38: {  	s10 =	sld [smem:$0x3FB5]  }
0x39: {  	_ = 	snop;
	(pc) =	sbr.ind lr, $3  }
0x3a: {  	_ = 	snop  }
0x3b: {  	_ = 	snop  }
0x3c: {  	p2 =	seq.s32 s10, $0x1;
	s10 =	sld [smem:$0x3FB4]  }
0x3d: {  	_ =	shalt  }
0x3e: {  	_ =	shalt  }
0x3f: {  	_ =	shalt  }
0x40: {  	_ =	shalt  }
0x41: {  	_ =	shalt  }
0x42: {  	_ =	shalt  }
0x43: {  	_ =	shalt  }
0x44: {  	_ =	shalt  }
0x45: {  	_ =	shalt  }
0x46: {  	_ =	shalt  }
0x47: {  	_ =	shalt  }
0x48: {  	_ =	shalt  }
0x49: {  	_ =	shalt  }
0x4a: {  	_ =	shalt  }
0x4b: {  	_ =	shalt  }
0x4c: {  	_ =	shalt  }
0x4d: {  	_ =	shalt  }
0x4e: {  	_ =	shalt  }
0x4f: {  	_ =	shalt  }
0x50: {  	_ =	shalt  }
0x51: {  	_ =	shalt  }
0x52: {  	_ =	shalt  }
0x53: {  	_ =	shalt  }
0x54: {  	_ =	shalt  }
0x55: {  	_ =	shalt  }
0x56: {  	_ =	shalt  }
0x57: {  	_ =	shalt  }
0x58: {  	_ =	shalt  }
0x59: {  	_ =	shalt  }
0x5a: {  	_ =	shalt  }
0x5b: {  	_ =	shalt  }
0x5c: {  	_ =	shalt  }
0x5d: {  	_ =	shalt  }
0x5e: {  	_ =	shalt  }
0x5f: {  	_ =	shalt  }
0x60: {  	_ =	shalt  }
0x61: {  	_ =	shalt  }
0x62: {  	_ =	shalt  }
0x63: {  	_ =	shalt  }
0x64: {  	_ =	shalt  }
0x65: {  	_ =	shalt  }
0x66: {  	_ =	shalt  }
0x67: {  	_ =	shalt  }
0x68: {  	_ =	shalt  }
0x69: {  	_ =	shalt  }
0x6a: {  	_ =	shalt  }
0x6b: {  	_ =	shalt  }
0x6c: {  	_ =	shalt  }
0x6d: {  	_ =	shalt  }
0x6e: {  	_ =	shalt  }
0x6f: {  	_ =	shalt  }
0x70: {  	_ =	shalt  }
0x71: {  	_ =	shalt  }
0x72: {  	_ =	shalt  }
0x73: {  	_ =	shalt  }
0x74: {  	_ =	shalt  }
0x75: {  	_ =	shalt  }
0x76: {  	_ =	shalt  }
0x77: {  	_ =	shalt  }
0x78: {  	_ =	shalt  }
0x79: {  	_ =	shalt  }
0x7a: {  	_ =	shalt  }
0x7b: {  	_ =	shalt  }
0x7c: {  	_ =	shalt  }
0x7d: {  	_ =	shalt  }
0x7e: {  	_ =	shalt  }
0x7f: {  	_ =	shalt  }
0x80: {  	_ =	shalt  }
0x81: {  	_ =	shalt  }
0x82: {  	_ =	shalt  }
0x83: {  	_ =	shalt  }
0x84: {  	_ =	shalt  }
0x85: {  	_ =	shalt  }
0x86: {  	_ =	shalt  }
0x87: {  	_ =	shalt  }
.Lfunc_end0:
.L_simem_size_0:
called_computation_lowered:
.L_overlay_start_0:
0x88: {  	s2 =	sld [smem:$0x3FD9]  }
0x89: {  	s3 =	sld [smem:$0x3FFE];
	_ =	sdelay $0x1  }
0x8a: {  	s1 =	srdreg.scid  }
0x8b: {  	s0 =	sand.u32 $0x1, s1  }
0x8c: {  	s16 =	sshll.u32 s0, $0xA;
	s2 =	sadd.s32 s3, s2  }
0x8d: {  	s2 =	sadd.s32 s2, s16  }
0x8e: {  	[smem:$0x3FC0] =	sst s2  }
0x8f: {  	_ = 	snop  }
0x90: {  	(tm) =	ssettm $0x1  }
0x91: {  	s17 =	sld [smem:$0x3FFB];
	_ =	sdelay $0x3  }
0x92: {  	_ =	strace s17  }
0x93: {  	s2 =	sld [smem:$0x3FFC];
	_ =	sdelay $0x3  }
0x94: {  	_ =	strace s2  }
0x95: {  	s2 =	sld [smem:$0x3FFD];
	_ =	sdelay $0x3  }
0x96: {  	_ =	strace s2  }
0x97: {  	_ =	strace $0x8FFFFFFF  }
0x98: {  	s18 =	sld [smem:$0x3FDB];
	_ =	sdelay $0x1  }
0x99: {  	s19 =	simm.s32 $_scs_section_size  }
0x9a: {  	s4 =	simm.s32 $_size__tile_overlayer_lowered;
	s5 =	simm.s32 $_tile_overlayer_lowered  }
0x9b: {  	s22 =	simm.s32 $0x1BFF;
	s21 =	sshll.u32 s5, $0x1;
	s2 =	sadd.s32 s19, s18  }
0x9c: {  	s6 =	simm.s32 $0x0;
	s20 =	sshll.u32 s4, $0x1;
	s4 =	sadd.s32 s21, s2  }
0x9d: {  	[timem:s6], [sflag:s22] =	dma.local [hbm:s4], s20  }
0x9e: {  	_ =	swait.ge [sflag:s22], s20  }
0x9f: {  	s3 =	ssub.s32 $0x0, s20;
	[sflag:s22] =	ssyncset.done $0x0  }
0xa0: {  	[sflag:s22] =	ssyncadd.s32 s3;
	_ =	sdelay $0x1  }
0xa1: {  	s23 =	simm.s32 $0x1B8B  }
0xa2: {  	_ =	swait.ge [sflag:s23], $0x1  }
0xa3: {  	[sflag:s23] =	ssyncset.done $0x0  }
0xa4: {  	s25 =	simm.s32 $0x1B8E;
	s24 =	sld [smem:$0x3FFE];
	[sflag:s23] =	ssyncadd.s32 $0xFFFFFFFF  }
0xa5: {  	s26 =	simm.s32 $execute0_lowered;
	[smem:$0x3FD2] =	sst s25  }
0xa6: {  	s4 =	sshll.u32 s26, $0x1;
	_ =	strace $0x80000046;
	[dreg:$0x1] =	wrdreg $0xFFFFFFFF  }
0xa7: {  	s28 =	simm.s32 $_size_execute0_lowered;
	s2 =	sadd.s32 s2, s4;
	[dreg:$0x0] =	wrdreg $0x0  }
0xa8: {  	s4 =	sshll.u32 s28, $0x1;
	[dreg:$0x2] =	wrdreg s2  }
0xa9: {  	[dreg:$0x3] =	wrdreg s4  }
0xaa: {  	[dreg:$0x4] =	wrdreg $0xC0  }
0xab: {  	_ =	task [dreg:s6], $0x5FFFF  }
0xac: {  	[dreg:$0x1] =	wrdreg $0xFFFFFFFF  }
0xad: {  	[dreg:$0x0] =	wrdreg $0x60  }
0xae: {  	[dreg:$0x2] =	wrdreg s24  }
0xaf: {  	[dreg:$0x3] =	wrdreg $0x9  }
0xb0: {  	_ =	task.clear_ibuf [dreg:s6], $0x4FFFF;
	_ =	strace $0x90000046  }
0xb1: {  	s29 =	simm.s32 $0x9;
	_ =	strace $0x80000048  }
0xb2: {  	_ =	swait.ge [sflag:s29], $0x1  }
0xb3: {  	[sflag:s29] =	ssyncadd.s32 $0xFFFFFFFF  }
0xb4: {  	_ =	strace $0x90000048  }
0xb5: {  	_ =	sfence  }
0xb6: {  	s30 =	sld [smem:$0x0];
	_ =	sdelay $0x2  }
0xb7: {  	s31 =	sshll.u32 s1, $0xD;
	s1 =	sshrl.u32 s1, $0x2  }
0xb8: {  	s3 =	sand.u32 $0x4000, s31;
	s1 =	sadd.s32 s1, s30  }
0xb9: {  	s0 =	sor.u32 s3, s0;
	s1 =	sshll.u32 s1, $0x11  }
0xba: {  	s0 =	sor.u32 s1, s0  }
0xbb: {  	s0 =	sadd.s32 $0x8F2B, s0  }
0xbc: {  	[sflag:s0] =	ssyncadd.remote.s32 $0x1  }
0xbd: {  	_ =	sfence.sel $0xFFFF  }
0xbe: {  	[dreg:$0x0] =	wrdreg $0xFFFFFFFF;
	(pc) =	sbr.abs _section_cstart, $3  }
0xbf: {  	[dreg:$0x1] =	wrdreg $0xFFFFFFFF  }
0xc0: {  	_ =	task.clear_ibuf [dreg:s6], $0x2FFFF;
	_ =	strace $0x9FFFFFFF  }
0xc1: {  	(tm) =	ssettm $0x7FFFFFFF  }
tec
execute0_lowered:
.L_overlay_start_1:
0x0: {  	(tag) =	ssettag $0x1  }
0x1: {  	s4 =	rddreg [dreg:$0x0]  }
0x2: {  	s0 =	rddreg [dreg:$0x1];
	s3 =	srdreg.scid  }
0x3: {  	s1 =	stileid.u32;
	s2 =	simm.s32 $0x0;
	s9 =	simm.s32 $0x8000  }
0x4: {  	s10 =	simm.s32 $0x80;
	s11 =	simm.s32 $0xB400;
	s12 =	simm.s32 $0x100  }
0x5: {  	s13 =	simm.s32 $0xE800;
	s14 =	simm.s32 $0x180;
	s15 =	simm.s32 $0x11C00  }
0x6: {  	s16 =	simm.s32 $0x1;
	s17 =	simm.s32 $0x2;
	s18 =	simm.s32 $0x3  }
0x7: {  	s19 =	simm.s32 $0x4;
	s20 =	simm.s32 $0x15000;
	s21 =	simm.s32 $0x0  }
0x8: {  	s3 =	sand.u32 $0x1, s3;
	s5 =	sshll.u32 s1, $0x1;
	[smem:$0x7FF] =	sst s2  }
0x9: {  	s5 =	sor.u32 s3, s5;
	_ =	strace $0x80000047;
	s7 =	ssub.s32 $0x2, s3  }
0xa: {  	s3 =	sadd.s32 $0xF43800, s4;
	s6 =	sshll.u32 s5, $0xC;
	s5 =	sshll.u32 s5, $0xB  }
0xb: {  	s8 =	sshrl.u32 s7, $0x1;
	s6 =	sadd.s32 s6, s4;
	s5 =	sadd.s32 s5, s4  }
0xc: {  	s7 =	ssub.s32 s7, s8;
	s8 =	simm.s32 $0x64;
	s4 =	sadd.s32 $0x1400, s6  }
0xd: {  	s5 =	sadd.s32 $0x21400, s5;
	s6 =	smax.u32 s7, $0x1;
	s7 =	simm.s32 $0x5  }
.LBB2_1:
0xe: {  	[tilespmem:s2], [sflag:$0x5] =	stream.linear.gather [hbm4b:s4+s2], $0x8000, $0x38;
	[tilespmem:$0x19000] =	vst v63  }
0xf: {  	_ =	swait.ge [sflag:s7], $0x8000  }
0x10: {  	[sflag:s7] =	ssyncset.done $0x0  }
0x11: {  	[sflag:s7] =	ssyncadd.s32 $0xFFFF8000  }
0x12: {  	[tilespmem:s9], [sflag:$0x1] =	stream.indirect.gather [hbm4b:s3+s8], $0x80, s2, s8, $0xb8;
	[tilespmem:$0x19000] =	vst v63  }
0x13: {  	_ = 	snop  }
0x14: {  	[tilespmem:s11], [sflag:$0x2] =	stream.indirect.gather [hbm4b:s3+s8], $0x80, s10, s8, $0xb8;
	[tilespmem:$0x19000] =	vst v63  }
0x15: {  	_ = 	snop  }
0x16: {  	[tilespmem:s13], [sflag:$0x3] =	stream.indirect.gather [hbm4b:s3+s8], $0x80, s12, s8, $0xb8;
	[tilespmem:$0x19000] =	vst v63  }
0x17: {  	s24 =	simm.s32 $0x0  }
0x18: {  	[tilespmem:s15], [sflag:$0x4] =	stream.indirect.gather [hbm4b:s3+s8], $0x80, s14, s8, $0xb8;
	[tilespmem:$0x19000] =	vst v63  }
.LBB2_2:
0x19: {  	_ =	swait.ge [sflag:s16], $0x3200  }
0x1a: {  	[sflag:s16] =	ssyncset.done $0x0  }
0x1b: {  	s23 =	simm.s32 $0x8100;
	[sflag:s16] =	ssyncadd.s32 $0xFFFFCE00  }
0x1c: {  	v0 =	vld [tilespmem:s23+$0x80]  }
0x1d: {  	v1 =	vld [tilespmem:s23+$0x90]  }
0x1e: {  	v2 =	vld [tilespmem:s23+$0x0]  }
0x1f: {  	v3 =	vld [tilespmem:s23+$0x10]  }
0x20: {  	v4 =	vld [tilespmem:s23+$0xFFFFFF80]  }
0x21: {  	v5 =	vld [tilespmem:s23+$0xFFFFFF90]  }
0x22: {  	v6 =	vld [tilespmem:s23+$0xFFFFFF00]  }
0x23: {  	v7 =	vld [tilespmem:s23+$0xFFFFFF10]  }
0x24: {  	v9 =	vld [tilespmem:s23+$0xFFFFFF20]  }
0x25: {  	v12 =	vld [tilespmem:s23+$0xFFFFFF30]  }
0x26: {  	v11 =	vld [tilespmem:s23+$0xFFFFFFA0]  }
0x27: {  	v13 =	vld [tilespmem:s23+$0xFFFFFFB0]  }
0x28: {  	v15 =	vimm.f32 $0.0e+00;
	v8 =	vld [tilespmem:s23+$0x20]  }
0x29: {  	v10 =	vld [tilespmem:s23+$0x30];
	v6 =	vadd.f32 v6, v15;
	v7 =	vadd.f32 v7, v15  }
0x2a: {  	v14 =	vadd.f32 v9, v15;
	v15 =	vadd.f32 v12, v15;
	v9 =	vld [tilespmem:s23+$0xA0]  }
0x2b: {  	s22 =	simm.s32 $0x0;
	v12 =	vld [tilespmem:s23+$0xB0];
	s23 =	simm.s32 $0x8300;
	v16 =	vadd.f32 v4, v6;
	v17 =	vadd.f32 v5, v7  }
.LBB2_3:
0x2c: {  	v4 =	vld [tilespmem:s23+$0x80];
	v5 =	vadd.f32 v11, v14;
	v6 =	vadd.f32 v13, v15  }
0x2d: {  	v7 =	vld [tilespmem:s23+$0x90];
	v11 =	vadd.f32 v2, v16;
	v13 =	vadd.f32 v3, v17  }
0x2e: {  	v2 =	vld [tilespmem:s23+$0x0];
	v5 =	vadd.f32 v8, v5;
	v6 =	vadd.f32 v10, v6  }
0x2f: {  	v3 =	vld [tilespmem:s23+$0x10];
	v10 =	vadd.f32 v0, v11;
	v14 =	vadd.f32 v1, v13  }
0x30: {  	v16 =	vld [tilespmem:s23+$0xFFFFFF80];
	v5 =	vadd.f32 v9, v5;
	v6 =	vadd.f32 v12, v6  }
0x31: {  	v12 =	vld [tilespmem:s23+$0xFFFFFF90];
	v0 =	vmov v4  }
0x32: {  	v4 =	vld [tilespmem:s23+$0xFFFFFF00];
	v1 =	vmov v7  }
0x33: {  	v7 =	vld [tilespmem:s23+$0xFFFFFF10]  }
0x34: {  	v9 =	vld [tilespmem:s23+$0xFFFFFF20]  }
0x35: {  	s22 =	sadd.s32 $0x4, s22;
	v15 =	vld [tilespmem:s23+$0xFFFFFF30]  }
0x36: {  	p0 =	slt.u32 s22, $0x60;
	v11 =	vld [tilespmem:s23+$0xFFFFFFA0]  }
.Ltmp0:
0x37: {  	v13 =	vld [tilespmem:s23+$0xFFFFFFB0];
	(pc) =	sbr.rel @p0 .LBB2_3-.Ltmp0, $4  }
0x38: {  	v8 =	vld [tilespmem:s23+$0x20]  }
0x39: {  	v4 =	vadd.f32 v4, v10;
	v7 =	vadd.f32 v7, v14;
	v10 =	vld [tilespmem:s23+$0x30]  }
0x3a: {  	v14 =	vadd.f32 v9, v5;
	v15 =	vadd.f32 v15, v6;
	v9 =	vld [tilespmem:s23+$0xA0]  }
0x3b: {  	v16 =	vadd.f32 v16, v4;
	v17 =	vadd.f32 v12, v7;
	v12 =	vld [tilespmem:s23+$0xB0];
	s23 =	sadd.s32 $0x200, s23  }
0x3c: {  	s22 =	sadd.s32 $0x1, s24  }
0x3d: {  	p0 =	seq.s32 s24, $0x3F;
	s23 =	sshll.u32 s22, $0xB  }
0x3e: {  	s25 =	simm.s32 @!p0 $0x64;
	s26 =	simm.s32 @!p0 $0x8000;
	s23 =	sshrl.u32 @!p0 s23, $0x2  }
0x3f: {  	[tilespmem:s26], [sflag:$0x1] =	stream.indirect.gather @!p0 [hbm4b:s3+s25], $0x80, s23, s25, $0xb8;
	[tilespmem:$0x19000] =	vst v63  }
0x40: {  	_ =	swait.ge [sflag:s17], $0x3200  }
0x41: {  	[sflag:s17] =	ssyncset.done $0x0  }
0x42: {  	s31 =	simm.s32 $0xB5B0;
	[sflag:s17] =	ssyncadd.s32 $0xFFFFCE00  }
0x43: {  	v5 =	vld [tilespmem:s31+$0xFFFFFFD0]  }
0x44: {  	v4 =	vld [tilespmem:s31+$0xFFFFFFE0]  }
0x45: {  	v6 =	vld [tilespmem:s31+$0xFFFFFF50]  }
0x46: {  	v7 =	vld [tilespmem:s31+$0xFFFFFF60]  }
0x47: {  	v18 =	vld [tilespmem:s31+$0xFFFFFED0]  }
0x48: {  	v19 =	vld [tilespmem:s31+$0xFFFFFEE0]  }
0x49: {  	v20 =	vld [tilespmem:s31+$0xFFFFFE50]  }
0x4a: {  	v21 =	vld [tilespmem:s31+$0xFFFFFE60]  }
0x4b: {  	v11 =	vadd.f32 v11, v14;
	v13 =	vadd.f32 v13, v15;
	v14 =	vld [tilespmem:s31+$0xFFFFFE70]  }
0x4c: {  	v15 =	vadd.f32 v2, v16;
	v3 =	vadd.f32 v3, v17;
	v63 =	vld [tilespmem:s31+$0xFFFFFE80]  }
0x4d: {  	v8 =	vadd.f32 v8, v11;
	v11 =	vadd.f32 v10, v13;
	v2 =	vld [tilespmem:s31+$0xFFFFFEF0]  }
0x4e: {  	v0 =	vadd.f32 v0, v15;
	v3 =	vadd.f32 v1, v3;
	v10 =	vld [tilespmem:s31+$0xFFFFFF00]  }
0x4f: {  	v8 =	vadd.f32 v9, v8;
	v9 =	vadd.f32 v12, v11;
	v1 =	vld [tilespmem:s31+$0xFFFFFF70]  }
0x50: {  	v12 =	vadd.f32 v20, v0;
	v15 =	vadd.f32 v21, v3;
	v3 =	vld [tilespmem:s31+$0xFFFFFF80]  }
0x51: {  	v11 =	vadd.f32 v14, v8;
	v9 =	vadd.f32 v63, v9;
	v0 =	vld [tilespmem:s31+$0xFFFFFFF0]  }
0x52: {  	s25 =	simm.s32 $0x0;
	s26 =	simm.s32 $0xB7B0;
	v8 =	vld [tilespmem:s31+$0x0];
	v13 =	vadd.f32 v18, v12;
	v12 =	vadd.f32 v19, v15  }
.LBB2_5:
0x53: {  	v14 =	vld [tilespmem:s26+$0xFFFFFFD0];
	v2 =	vadd.f32 v2, v11;
	v9 =	vadd.f32 v10, v9  }
0x54: {  	v10 =	vld [tilespmem:s26+$0xFFFFFFE0];
	v11 =	vadd.f32 v6, v13;
	v12 =	vadd.f32 v7, v12  }
0x55: {  	v6 =	vld [tilespmem:s26+$0xFFFFFF50];
	v1 =	vadd.f32 v1, v2;
	v2 =	vadd.f32 v3, v9  }
0x56: {  	v7 =	vld [tilespmem:s26+$0xFFFFFF60];
	v3 =	vadd.f32 v5, v11;
	v9 =	vadd.f32 v4, v12  }
0x57: {  	v12 =	vld [tilespmem:s26+$0xFFFFFED0];
	v0 =	vadd.f32 v0, v1;
	v8 =	vadd.f32 v8, v2  }
0x58: {  	v15 =	vld [tilespmem:s26+$0xFFFFFEE0];
	v5 =	vmov v14  }
0x59: {  	v11 =	vld [tilespmem:s26+$0xFFFFFE50];
	v4 =	vmov v10  }
0x5a: {  	v13 =	vld [tilespmem:s26+$0xFFFFFE60]  }
0x5b: {  	v14 =	vld [tilespmem:s26+$0xFFFFFE70]  }
0x5c: {  	s25 =	sadd.s32 $0x4, s25;
	v16 =	vld [tilespmem:s26+$0xFFFFFE80]  }
0x5d: {  	p1 =	slt.u32 s25, $0x60;
	v2 =	vld [tilespmem:s26+$0xFFFFFEF0]  }
.Ltmp1:
0x5e: {  	v10 =	vld [tilespmem:s26+$0xFFFFFF00];
	(pc) =	sbr.rel @p1 .LBB2_5-.Ltmp1, $4  }
0x5f: {  	v1 =	vld [tilespmem:s26+$0xFFFFFF70]  }
0x60: {  	v17 =	vadd.f32 v11, v3;
	v18 =	vadd.f32 v13, v9;
	v3 =	vld [tilespmem:s26+$0xFFFFFF80]  }
0x61: {  	v11 =	vadd.f32 v14, v0;
	v9 =	vadd.f32 v16, v8;
	v0 =	vld [tilespmem:s26+$0xFFFFFFF0]  }
0x62: {  	v13 =	vadd.f32 v12, v17;
	v12 =	vadd.f32 v15, v18;
	v8 =	vld [tilespmem:s26+$0x0];
	s26 =	sadd.s32 $0x200, s26  }
0x63: {  	_ = 	snop  }
0x64: {  	v2 =	vadd.f32 v2, v11;
	v6 =	vadd.f32 v6, v13  }
0x65: {  	v9 =	vadd.f32 v10, v9;
	v7 =	vadd.f32 v7, v12  }
0x66: {  	s25 =	sadd.s32 @!p0 $0x80, s23;
	v1 =	vadd.f32 v1, v2;
	v2 =	vadd.f32 v5, v6  }
0x67: {  	s26 =	simm.s32 @!p0 $0x64;
	s28 =	simm.s32 @!p0 $0xB400;
	s24 =	sshll.u32 s24, $0x8;
	v3 =	vadd.f32 v3, v9;
	v4 =	vadd.f32 v4, v7  }
0x68: {  	[tilespmem:s28], [sflag:$0x2] =	stream.indirect.gather @!p0 [hbm4b:s3+s26], $0x80, s25, s26, $0xb8;
	v0 =	vadd.f32 v0, v1;
	v1 =	vmul.f32 $4.999999890e-03, v2;
	[tilespmem:$0x19000] =	vst v63  }
0x69: {  	s24 =	sand.u32 $0x3FFFFF00, s24;
	v2 =	vadd.f32 v8, v3;
	v3 =	vmul.f32 $4.999999890e-03, v4  }
0x6a: {  	v0 =	vmul.f32 $4.999999890e-03, v0;
	[tilespmem:s24+$0x15000] =	vst v1  }
0x6b: {  	[tilespmem:s24+$0x15010] =	vst v3;
	v1 =	vmul.f32 $4.999999890e-03, v2  }
0x6c: {  	[tilespmem:s24+$0x15020] =	vst v0  }
0x6d: {  	[tilespmem:s24+$0x15030] =	vst v1  }
0x6e: {  	_ =	swait.ge [sflag:s18], $0x3200  }
0x6f: {  	[sflag:s18] =	ssyncset.done $0x0  }
0x70: {  	s31 =	simm.s32 $0xE800;
	[sflag:s18] =	ssyncadd.s32 $0xFFFFCE00  }
0x71: {  	v0 =	vld [tilespmem:s31+$0x180]  }
0x72: {  	v1 =	vld [tilespmem:s31+$0x190]  }
0x73: {  	v2 =	vld [tilespmem:s31+$0x100]  }
0x74: {  	v3 =	vld [tilespmem:s31+$0x110]  }
0x75: {  	v4 =	vld [tilespmem:s31+$0x80]  }
0x76: {  	v5 =	vld [tilespmem:s31+$0x90]  }
0x77: {  	v6 =	vld [tilespmem:s31+$0x0]  }
0x78: {  	v7 =	vld [tilespmem:s31+$0x10]  }
0x79: {  	v9 =	vld [tilespmem:s31+$0x20]  }
0x7a: {  	v12 =	vld [tilespmem:s31+$0x30]  }
0x7b: {  	v11 =	vld [tilespmem:s31+$0xA0]  }
0x7c: {  	v13 =	vld [tilespmem:s31+$0xB0]  }
0x7d: {  	v15 =	vimm.f32 $0.0e+00;
	v8 =	vld [tilespmem:s31+$0x120]  }
0x7e: {  	v10 =	vld [tilespmem:s31+$0x130];
	v6 =	vadd.f32 v6, v15;
	v7 =	vadd.f32 v7, v15  }
0x7f: {  	v14 =	vadd.f32 v9, v15;
	v15 =	vadd.f32 v12, v15;
	v9 =	vld [tilespmem:s31+$0x1A0]  }
0x80: {  	s25 =	simm.s32 $0x0;
	s26 =	simm.s32 $0xEA00;
	v12 =	vld [tilespmem:s31+$0x1B0];
	v16 =	vadd.f32 v4, v6;
	v17 =	vadd.f32 v5, v7  }
.LBB2_7:
0x81: {  	v4 =	vld [tilespmem:s26+$0x180];
	v5 =	vadd.f32 v11, v14;
	v6 =	vadd.f32 v13, v15  }
0x82: {  	v7 =	vld [tilespmem:s26+$0x190];
	v11 =	vadd.f32 v2, v16;
	v13 =	vadd.f32 v3, v17  }
0x83: {  	v2 =	vld [tilespmem:s26+$0x100];
	v5 =	vadd.f32 v8, v5;
	v6 =	vadd.f32 v10, v6  }
0x84: {  	v3 =	vld [tilespmem:s26+$0x110];
	v10 =	vadd.f32 v0, v11;
	v14 =	vadd.f32 v1, v13  }
0x85: {  	v16 =	vld [tilespmem:s26+$0x80];
	v5 =	vadd.f32 v9, v5;
	v6 =	vadd.f32 v12, v6  }
0x86: {  	v12 =	vld [tilespmem:s26+$0x90];
	v0 =	vmov v4  }
0x87: {  	v4 =	vld [tilespmem:s26+$0x0];
	v1 =	vmov v7  }
0x88: {  	v7 =	vld [tilespmem:s26+$0x10]  }
0x89: {  	v9 =	vld [tilespmem:s26+$0x20]  }
0x8a: {  	s25 =	sadd.s32 $0x4, s25;
	v15 =	vld [tilespmem:s26+$0x30]  }
0x8b: {  	p1 =	slt.u32 s25, $0x60;
	v11 =	vld [tilespmem:s26+$0xA0]  }
.Ltmp2:
0x8c: {  	v13 =	vld [tilespmem:s26+$0xB0];
	(pc) =	sbr.rel @p1 .LBB2_7-.Ltmp2, $4  }
0x8d: {  	v8 =	vld [tilespmem:s26+$0x120]  }
0x8e: {  	v4 =	vadd.f32 v4, v10;
	v7 =	vadd.f32 v7, v14;
	v10 =	vld [tilespmem:s26+$0x130]  }
0x8f: {  	v14 =	vadd.f32 v9, v5;
	v15 =	vadd.f32 v15, v6;
	v9 =	vld [tilespmem:s26+$0x1A0]  }
0x90: {  	v16 =	vadd.f32 v16, v4;
	v17 =	vadd.f32 v12, v7;
	v12 =	vld [tilespmem:s26+$0x1B0];
	s26 =	sadd.s32 $0x200, s26  }
0x91: {  	s25 =	sadd.s32 @!p0 $0x100, s23;
	s26 =	simm.s32 @!p0 $0x64;
	s28 =	simm.s32 @!p0 $0xE800  }
0x92: {  	[tilespmem:s28], [sflag:$0x3] =	stream.indirect.gather @!p0 [hbm4b:s3+s26], $0x80, s25, s26, $0xb8;
	[tilespmem:$0x19000] =	vst v63  }
0x93: {  	_ =	swait.ge [sflag:s19], $0x3200  }
0x94: {  	[sflag:s19] =	ssyncset.done $0x0  }
0x95: {  	s31 =	simm.s32 $0x11C00;
	[sflag:s19] =	ssyncadd.s32 $0xFFFFCE00  }
0x96: {  	v4 =	vld [tilespmem:s31+$0x180]  }
0x97: {  	v5 =	vld [tilespmem:s31+$0x190]  }
0x98: {  	v6 =	vld [tilespmem:s31+$0x100]  }
0x99: {  	v7 =	vld [tilespmem:s31+$0x110]  }
0x9a: {  	v18 =	vld [tilespmem:s31+$0x80]  }
0x9b: {  	v19 =	vld [tilespmem:s31+$0x90]  }
0x9c: {  	v20 =	vld [tilespmem:s31+$0x0]  }
0x9d: {  	v21 =	vld [tilespmem:s31+$0x10]  }
0x9e: {  	v11 =	vadd.f32 v11, v14;
	v13 =	vadd.f32 v13, v15;
	v14 =	vld [tilespmem:s31+$0x20]  }
0x9f: {  	v15 =	vadd.f32 v2, v16;
	v3 =	vadd.f32 v3, v17;
	v63 =	vld [tilespmem:s31+$0x30]  }
0xa0: {  	v8 =	vadd.f32 v8, v11;
	v10 =	vadd.f32 v10, v13;
	v2 =	vld [tilespmem:s31+$0xA0]  }
0xa1: {  	v11 =	vadd.f32 v0, v15;
	v1 =	vadd.f32 v1, v3;
	v3 =	vld [tilespmem:s31+$0xB0]  }
0xa2: {  	v9 =	vadd.f32 v9, v8;
	v10 =	vadd.f32 v12, v10;
	v0 =	vld [tilespmem:s31+$0x120]  }
0xa3: {  	v8 =	vld [tilespmem:s31+$0x130];
	v12 =	vadd.f32 v20, v11;
	v15 =	vadd.f32 v21, v1  }
0xa4: {  	v11 =	vadd.f32 v14, v9;
	v10 =	vadd.f32 v63, v10;
	v1 =	vld [tilespmem:s31+$0x1A0]  }
0xa5: {  	s25 =	simm.s32 $0x0;
	s26 =	simm.s32 $0x11E00;
	v9 =	vld [tilespmem:s31+$0x1B0];
	v13 =	vadd.f32 v18, v12;
	v12 =	vadd.f32 v19, v15  }
.LBB2_9:
0xa6: {  	v14 =	vld [tilespmem:s26+$0x180];
	v2 =	vadd.f32 v2, v11;
	v3 =	vadd.f32 v3, v10  }
0xa7: {  	v10 =	vld [tilespmem:s26+$0x190];
	v11 =	vadd.f32 v6, v13;
	v12 =	vadd.f32 v7, v12  }
0xa8: {  	v6 =	vld [tilespmem:s26+$0x100];
	v0 =	vadd.f32 v0, v2;
	v2 =	vadd.f32 v8, v3  }
0xa9: {  	v7 =	vld [tilespmem:s26+$0x110];
	v8 =	vadd.f32 v4, v11;
	v11 =	vadd.f32 v5, v12  }
0xaa: {  	v12 =	vld [tilespmem:s26+$0x80];
	v1 =	vadd.f32 v1, v0;
	v9 =	vadd.f32 v9, v2  }
0xab: {  	v15 =	vld [tilespmem:s26+$0x90];
	v4 =	vmov v14  }
0xac: {  	v13 =	vld [tilespmem:s26+$0x0];
	v5 =	vmov v10  }
0xad: {  	v10 =	vld [tilespmem:s26+$0x10]  }
0xae: {  	v14 =	vld [tilespmem:s26+$0x20]  }
0xaf: {  	s25 =	sadd.s32 $0x4, s25;
	v16 =	vld [tilespmem:s26+$0x30]  }
0xb0: {  	p1 =	slt.u32 s25, $0x60;
	v2 =	vld [tilespmem:s26+$0xA0]  }
.Ltmp3:
0xb1: {  	v3 =	vld [tilespmem:s26+$0xB0];
	(pc) =	sbr.rel @p1 .LBB2_9-.Ltmp3, $4  }
0xb2: {  	v0 =	vld [tilespmem:s26+$0x120]  }
0xb3: {  	v13 =	vadd.f32 v13, v8;
	v17 =	vadd.f32 v10, v11;
	v8 =	vld [tilespmem:s26+$0x130]  }
0xb4: {  	v11 =	vadd.f32 v14, v1;
	v10 =	vadd.f32 v16, v9;
	v1 =	vld [tilespmem:s26+$0x1A0]  }
0xb5: {  	v13 =	vadd.f32 v12, v13;
	v12 =	vadd.f32 v15, v17;
	v9 =	vld [tilespmem:s26+$0x1B0];
	s26 =	sadd.s32 $0x200, s26  }
0xb6: {  	_ = 	snop  }
0xb7: {  	v2 =	vadd.f32 v2, v11;
	v6 =	vadd.f32 v6, v13  }
0xb8: {  	v3 =	vadd.f32 v3, v10;
	v7 =	vadd.f32 v7, v12  }
0xb9: {  	s23 =	sadd.s32 @!p0 $0x180, s23;
	s25 =	simm.s32 @!p0 $0x64;
	s26 =	simm.s32 @!p0 $0x11C00;
	v0 =	vadd.f32 v0, v2;
	v58 =	vadd.f32 v4, v6  }
0xba: {  	[tilespmem:s26], [sflag:$0x4] =	stream.indirect.gather @!p0 [hbm4b:s3+s25], $0x80, s23, s25, $0xb8;
	v3 =	vadd.f32 v8, v3;
	v59 =	vadd.f32 v5, v7;
	[tilespmem:$0x19000] =	vst v63  }
0xbb: {  	p0 =	sne.s32 s22, $0x40;
	v0 =	vadd.f32 v1, v0;
	v60 =	vmul.f32 $4.999999890e-03, v58  }
.Ltmp4:
0xbc: {  	v61 =	vadd.f32 v9, v3;
	v62 =	vmul.f32 $4.999999890e-03, v59;
	(pc) =	sbr.rel @p0 .LBB2_2-.Ltmp4, $4  }
0xbd: {  	v0 =	vmul.f32 $4.999999890e-03, v0;
	[tilespmem:s24+$0x15080] =	vst v60  }
0xbe: {  	v63 =	vmul.f32 $4.999999890e-03, v61;
	[tilespmem:s24+$0x15090] =	vst v62  }
0xbf: {  	[tilespmem:s24+$0x150A0] =	vst v0  }
0xc0: {  	[tilespmem:s24+$0x150B0] =	vst v63;
	s24 =	smov.u32 s22  }
0xc1: {  	s21 =	sadd.s32 $0x1, s21  }
0xc2: {  	p0 =	sne.s32 s21, s6  }
.Ltmp5:
0xc3: {  	_ = 	snop;
	(pc) =	sbr.rel @p0 .LBB2_1-.Ltmp5, $4  }
0xc4: {  	[hbm4b:s5+s2] =	stream.linear.scatter [tilespmem:s20], [sflag:$0x5], $0x4000, $0x38;
	[tilespmem:$0x19000] =	vst v63  }
0xc5: {  	_ =	swait.ge [sflag:s7], $0x4000  }
0xc6: {  	[sflag:s7] =	ssyncset.done $0x0  }
0xc7: {  	[sflag:s7] =	ssyncadd.s32 $0xFFFFC000  }
0xc8: {  	_ =	sfence.sel $0x180000  }
0xc9: {  	[bflag:$0x0] =	sbarrier.arrive $0xFFFF  }
0xca: {  	p0 =	sne.s32 s1, $0x0;
	_ =	strace $0x90000047  }
0xcb: {  	s0 =	sadd.s32 @!p0 $0x100000, s0;
	[bflag:$0x2] =	sbarrier.arrive $0xFFFF  }
0xcc: {  	[sflag:s0] =	ssyncadd.tile.s32 @!p0 $0x1;
	_ =	shalt  }
.Lfunc_end2:
_tile_overlayer_lowered:
.L_overlay_start_2:
0xcd: {  	(tag) =	ssettag $0x2  }
0xce: {  	s0 =	rddreg [dreg:$0x0];
	s2 =	stileid.u32  }
0xcf: {  	s1 =	rddreg [dreg:$0x1];
	p0 =	sne.s32 s2, $0x0  }
0xd0: {  	s3 =	rddreg [dreg:$0x2];
	[bflag:$0x3] =	sbarrier.arrive $0xFFFF;
	s2 =	simm.s32 @!p0 $0x1C05  }
0xd1: {  	[timem:s3], [sflag:s2] =	dma.local @!p0 [hbm:s0], s1  }
0xd2: {  	s0 =	simm.s32 @!p0 $0x5  }
0xd3: {  	_ =	swait.ge @!p0 [sflag:s0], s1  }
0xd4: {  	s1 =	ssub.s32 @!p0 $0x0, s1;
	[sflag:s0] =	ssyncset.done @!p0 $0x0  }
0xd5: {  	[sflag:s0] =	ssyncadd.s32 @!p0 s1  }
0xd6: {  	[bflag:$0x3] =	sbarrier.arrive $0xFFFF  }
0xd7: {  	_ =	shalt  }

</sc_bundles>
